<compile_context>
chip_gen: v7x
topology: tpu7x:2x2x1
jax: 0.10.2.dev20260603
libtpu: 0.0.44.dev20260713+nightly
codegen_flags: <defaults>
</compile_context>

<pallas_src>
import functools

import jax
import jax.numpy as jnp
from jax import lax
from jax.experimental import pallas as pl
from jax.experimental.pallas import tpu as pltpu
from jax.experimental.pallas import tpu_sc as plsc

POINCARE_EPS = 1e-05
MAX_PROJ_NORM = 5.0

NC = 2
NS = 16
NW = NC * NS
L = 16

B = 4096 * 200
D = 64
SUB = 128
NSUB = 4
CHUNK = SUB * NSUB
ROWS_PER_W = B // NW
NCHUNKS = ROWS_PER_W // CHUNK
NPAIRS = NCHUNKS // 2

def _lanesum(s):
    lanes = lax.iota(jnp.int32, L)
    dnums = lax.GatherDimensionNumbers(
        offset_dims=(), collapsed_slice_dims=(0,), start_index_map=(0,))
    for step in (8, 4, 2, 1):
        perm = (lanes ^ step)[:, None]
        s = s + lax.gather(s, perm, dnums, slice_sizes=(1,),
                           mode=lax.GatherScatterMode.PROMISE_IN_BOUNDS)
    return s


def _rsqrt(x):
    r = jnp.full((L,), 1.0, dtype=jnp.float32)
    for k in (64, 32, 16, 8, 4, 2):
        t = jnp.float32(2.0 ** k)
        pred = x >= t
        x = jnp.where(pred, x * jnp.float32(2.0 ** (-k)), x)
        r = jnp.where(pred, r * jnp.float32(2.0 ** (-k // 2)), r)
    y = 1.0 / x
    for _ in range(6):
        y = y * (1.5 - 0.5 * x * y * y)
    return y * r


@functools.partial(
    pl.kernel,
    out_type=jax.ShapeDtypeStruct((B, D), jnp.float32),
    mesh=plsc.VectorSubcoreMesh(core_axis_name="c", subcore_axis_name="s"),
    compiler_params=pltpu.CompilerParams(use_tc_tiling_on_sc=False),
    scratch_types=[
        pltpu.VMEM((NSUB, SUB), jnp.int32),
        pltpu.VMEM((NSUB, SUB), jnp.int32),
        pltpu.VMEM((CHUNK, D), jnp.float32),
        pltpu.VMEM((CHUNK, D), jnp.float32),
        pltpu.VMEM((L,), jnp.float32),
        pltpu.SemaphoreType.DMA,
        pltpu.SemaphoreType.DMA,
        pltpu.SemaphoreType.DMA,
        pltpu.SemaphoreType.DMA,
    ],
)
def _sc_gather_clamp(idx_hbm, table_hbm, scale_hbm, out_hbm,
                     idx0, idx1, rows0, rows1, scale_v,
                     g0, g1, o0, o1):
    idx_bufs = [idx0, idx1]
    row_bufs = [rows0, rows1]
    gsems = [g0, g1]
    osems = [o0, o1]

    wid = lax.axis_index("s") * NC + lax.axis_index("c")
    idx_base = wid * (ROWS_PER_W // SUB)
    row_base = wid * ROWS_PER_W

    pltpu.sync_copy(scale_hbm, scale_v)
    sv = scale_v[...]
    sv2 = sv * sv
    sv2_s = sv2[0]
    thresh = MAX_PROJ_NORM * MAX_PROJ_NORM

    def start(c, bi):
        pltpu.sync_copy(idx_hbm.at[pl.ds(idx_base + c * NSUB, NSUB), :],
                        idx_bufs[bi])
        for j in range(NSUB):
            pltpu.async_copy(table_hbm.at[idx_bufs[bi].at[j]],
                             row_bufs[bi].at[pl.ds(j * SUB, SUB), :],
                             gsems[bi])

    def wait_gathers(bi):
        pltpu.make_async_copy(out_hbm.at[pl.ds(0, CHUNK), :],
                              row_bufs[bi], gsems[bi]).wait()

    def wait_outcopy(bi):
        pltpu.make_async_copy(row_bufs[bi],
                              out_hbm.at[pl.ds(0, CHUNK), :], osems[bi]).wait()

    def compute(bi):
        rows = row_bufs[bi]

        def row_body(r, carry):
            v = [rows[r, pl.ds(k * L, L)] for k in range(4)]
            s = v[0] * v[0] + v[1] * v[1] + v[2] * v[2] + v[3] * v[3]
            ssum = _lanesum(s)
            big = ssum[0] * sv2_s > thresh

            @pl.when(big)
            def _():
                n2 = ssum * sv2
                f = jnp.where(n2 > thresh,
                              MAX_PROJ_NORM * _rsqrt(n2),
                              jnp.full((L,), 1.0, dtype=jnp.float32)) * sv
                for k in range(4):
                    rows[r, pl.ds(k * L, L)] = v[k] * f

            @pl.when(jnp.logical_not(big))
            def _():
                for k in range(4):
                    rows[r, pl.ds(k * L, L)] = v[k] * sv

            return carry

        lax.fori_loop(0, CHUNK, row_body, 0)

    def process(c, bi):
        nb = 1 - bi
        nxt = c + 1

        @pl.when(nxt < NCHUNKS)
        def _():
            @pl.when(c >= 1)
            def _():
                wait_outcopy(nb)
            start(nxt, nb)

        wait_gathers(bi)
        compute(bi)
        pltpu.async_copy(row_bufs[bi],
                         out_hbm.at[pl.ds(row_base + c * CHUNK, CHUNK), :],
                         osems[bi])

    start(0, 0)

    def pair_body(g, carry):
        process(2 * g, 0)
        process(2 * g + 1, 1)
        return carry

    lax.fori_loop(0, NPAIRS, pair_body, 0)
    wait_outcopy(0)
    wait_outcopy(1)


def kernel(token_ids, embed_weight, scale):
    idx = token_ids.reshape(B // SUB, SUB).astype(jnp.int32)
    scale_vec = jnp.broadcast_to(scale.astype(jnp.float32), (L,))
    out = _sc_gather_clamp(idx, embed_weight, scale_vec)
    return out.reshape(token_ids.shape + (D,))

# --- scband reference (transcript-rebuilt; emitter-appended) ---
"""Pipeline reference for scband-consensus-embedding-75505525064334 (READ-ONLY COPY).

The authoritative reference and input builder live on the scoring server;
editing this copy changes nothing except your own understanding.
"""

import jax, jax.numpy as jnp
import numpy as np

POINCARE_EPS = 1e-05
MAX_PROJ_NORM = 5.0


def setup_inputs(seed: int = 0) -> dict:
    key = jax.random.key(seed)
    k1, k2 = jax.random.split(key)
    token_ids = jax.random.randint(k1, (4096, 200), 0, 1000000, dtype=jnp.int64 if jax.config.jax_enable_x64 else jnp.int32)
    embed_weight = jax.random.normal(k2, (1000000, 64), dtype=jnp.float32) * 0.02
    scale = jnp.array(1.0, dtype=jnp.float32)
    return {"token_ids": token_ids, "embed_weight": embed_weight, "scale": scale}


def reference(token_ids, embed_weight, scale):
    # has_consensus=False path: raw = embed.weight
    embedded = jnp.take(embed_weight, token_ids, axis=0)
    # _project_and_clamp: projected = raw * scale; clamp norm to max_proj_norm
    projected = embedded * scale
    norm = jnp.maximum(jnp.linalg.norm(projected, axis=-1, keepdims=True), POINCARE_EPS)
    out = jnp.where(norm > MAX_PROJ_NORM, projected * MAX_PROJ_NORM / norm, projected)
    return out

if __name__ == "__main__":
    import jax
    _d = setup_inputs()
    print(jax.jit(kernel)(*tuple(_d.values())))

</pallas_src>

<mosaic_0001>
#map = affine_map<(d0, d1) -> (0, 0)>
#map1 = affine_map<(d0, d1) -> (0)>
module attributes {stable_mosaic.version = 14 : i64} {
  func.func @_sc_gather_clamp(%arg0: i32, %arg1: i32, %arg2: memref<6400x128xi32, #tpu.memory_space<hbm>>, %arg3: memref<1000000x64xf32, #tpu.memory_space<hbm>>, %arg4: memref<16xf32, #tpu.memory_space<hbm>>, %arg5: memref<819200x64xf32, #tpu.memory_space<hbm>>, %arg6: memref<4x128xi32, #tpu.memory_space<vmem>>, %arg7: memref<4x128xi32, #tpu.memory_space<vmem>>, %arg8: memref<512x64xf32, #tpu.memory_space<vmem>>, %arg9: memref<512x64xf32, #tpu.memory_space<vmem>>, %arg10: memref<16xf32, #tpu.memory_space<vmem>>, %arg11: memref<!tpu.dma_semaphore, #tpu.memory_space<semaphore_mem>>, %arg12: memref<!tpu.dma_semaphore, #tpu.memory_space<semaphore_mem>>, %arg13: memref<!tpu.dma_semaphore, #tpu.memory_space<semaphore_mem>>, %arg14: memref<!tpu.dma_semaphore, #tpu.memory_space<semaphore_mem>>) attributes {dimension_semantics = [#tpu.dimension_semantics<core_parallel>, #tpu.dimension_semantics<subcore_parallel>], iteration_bounds = array<i64: 2, 16>, scalar_prefetch = 0 : i64, scratch_operands = 9 : i64, tpu.core_type = #tpu.core_type<sc_vector_subcore>, window_params = [{transform_indices = #map}, {transform_indices = #map}, {transform_indices = #map1}, {transform_indices = #map}]} {
    %mul3A = arith.constant 2 : i32
    %mul3A_0 = arith.muli %arg1, %mul3A : i32
    %add3A = arith.addi %mul3A_0, %arg0 : i32
    %mul3A_1 = arith.constant 200 : i32
    %mul3A_2 = arith.muli %add3A, %mul3A_1 : i32
    %mul3A_3 = arith.constant 25600 : i32
    %mul3A_4 = arith.muli %add3A, %mul3A_3 : i32
    "tpu.region"() ({
      %run_scoped3A = tpu.sem_alloc : memref<!tpu.dma_semaphore, #tpu.memory_space<semaphore_mem>>
      tpu.enqueue_dma source(%arg4 : memref<16xf32, #tpu.memory_space<hbm>>) target(%arg10 : memref<16xf32, #tpu.memory_space<vmem>>) target_semaphore(%run_scoped3A : memref<!tpu.dma_semaphore, #tpu.memory_space<semaphore_mem>>)
      tpu.wait_dma2 semaphore(%run_scoped3A : memref<!tpu.dma_semaphore, #tpu.memory_space<semaphore_mem>>) src(%arg4 : memref<16xf32, #tpu.memory_space<hbm>>) dst(%arg10 : memref<16xf32, #tpu.memory_space<vmem>>)
      tpu.yield
    }) : () -> ()
    %get3A = arith.constant 0 : index
    %get3A_5 = tpu.vector_load %arg10[%get3A] {strides = array<i32>} : memref<16xf32, #tpu.memory_space<vmem>>, vector<16xf32>,
    %get3A_6 = vector.shape_cast %get3A_5 : vector<16xf32> to vector<16xf32>
    %mul3A_7 = arith.mulf %get3A_6, %get3A_6 : vector<16xf32>
    %slice3A = vector.extract_strided_slice %mul3A_7 {offsets = [0], sizes = [1], strides = [1]} : vector<16xf32> to vector<1xf32>
    %squeeze3A = vector.extract %slice3A[0] : f32 from vector<1xf32>
    %add3A_8 = arith.constant 0 : i32
    %add3A_9 = arith.addi %mul3A_2, %add3A_8 : i32
    "tpu.region"() ({
      %run_scoped3A = tpu.sem_alloc : memref<!tpu.dma_semaphore, #tpu.memory_space<semaphore_mem>>
      %dma_start3A_65 = arith.constant 0 : i32
      %dma_start3A_66 = tpu.memref_slice %arg2[%add3A_9, %dma_start3A_65] : memref<6400x128xi32, #tpu.memory_space<hbm>> -> memref<4x128xi32, #tpu.memory_space<hbm>>
      %dma_start3A_67 = arith.constant 0 : i32
      %dma_start3A_68 = tpu.memref_slice %arg2[%add3A_9, %dma_start3A_67] : memref<6400x128xi32, #tpu.memory_space<hbm>> -> memref<4x128xi32, #tpu.memory_space<hbm>>
      tpu.enqueue_dma source(%dma_start3A_68 : memref<4x128xi32, #tpu.memory_space<hbm>>) target(%arg6 : memref<4x128xi32, #tpu.memory_space<vmem>>) target_semaphore(%run_scoped3A : memref<!tpu.dma_semaphore, #tpu.memory_space<semaphore_mem>>)
      %dma_wait3A_69 = arith.constant 0 : i32
      %dma_wait3A_70 = tpu.memref_slice %arg2[%add3A_9, %dma_wait3A_69] : memref<6400x128xi32, #tpu.memory_space<hbm>> -> memref<4x128xi32, #tpu.memory_space<hbm>>
      %dma_wait3A_71 = arith.constant 0 : i32
      %dma_wait3A_72 = tpu.memref_slice %arg2[%add3A_9, %dma_wait3A_71] : memref<6400x128xi32, #tpu.memory_space<hbm>> -> memref<4x128xi32, #tpu.memory_space<hbm>>
      tpu.wait_dma2 semaphore(%run_scoped3A : memref<!tpu.dma_semaphore, #tpu.memory_space<semaphore_mem>>) src(%dma_wait3A_72 : memref<4x128xi32, #tpu.memory_space<hbm>>) dst(%arg6 : memref<4x128xi32, #tpu.memory_space<vmem>>)
      tpu.yield
    }) : () -> ()
    %dma_start3A = arith.constant 0 : i32
    %dma_start3A_10 = arith.constant 0 : i32
    %dma_start3A_11 = arith.constant 0 : i32
    %dma_start3A_12 = tpu.memref_slice %arg8[%dma_start3A_10, %dma_start3A_11] : memref<512x64xf32, #tpu.memory_space<vmem>> -> memref<128x64xf32, #tpu.memory_space<vmem>>
    %dma_start3A_13 = arith.constant 0 : i32
    %dma_start3A_14 = tpu.memref_slice %arg6[%dma_start3A, %dma_start3A_13] : memref<4x128xi32, #tpu.memory_space<vmem>> -> memref<1x128xi32, #tpu.memory_space<vmem>>
    %dma_start3A_15 = tpu.memref_squeeze %dma_start3A_14 : memref<1x128xi32, #tpu.memory_space<vmem>> -> memref<128xi32, #tpu.memory_space<vmem>>
    %dma_start3A_16 = arith.constant 0 : i32
    %dma_start3A_17 = arith.constant 0 : i32
    %dma_start3A_18 = tpu.memref_slice %arg3[%dma_start3A_16, %dma_start3A_17] : memref<1000000x64xf32, #tpu.memory_space<hbm>> -> memref<1000000x64xf32, #tpu.memory_space<hbm>>
    tpu.enqueue_indirect_dma source(%dma_start3A_18 : memref<1000000x64xf32, #tpu.memory_space<hbm>>) target(%dma_start3A_12 : memref<128x64xf32, #tpu.memory_space<vmem>>) offsets(%dma_start3A_15 : memref<128xi32, #tpu.memory_space<vmem>>) semaphore(%arg11 : memref<!tpu.dma_semaphore, #tpu.memory_space<semaphore_mem>>)
    %dma_start3A_19 = arith.constant 1 : i32
    %dma_start3A_20 = arith.constant 128 : i32
    %dma_start3A_21 = arith.constant 0 : i32
    %dma_start3A_22 = tpu.memref_slice %arg8[%dma_start3A_20, %dma_start3A_21] : memref<512x64xf32, #tpu.memory_space<vmem>> -> memref<128x64xf32, #tpu.memory_space<vmem>>
    %dma_start3A_23 = arith.constant 0 : i32
    %dma_start3A_24 = tpu.memref_slice %arg6[%dma_start3A_19, %dma_start3A_23] : memref<4x128xi32, #tpu.memory_space<vmem>> -> memref<1x128xi32, #tpu.memory_space<vmem>>
    %dma_start3A_25 = tpu.memref_squeeze %dma_start3A_24 : memref<1x128xi32, #tpu.memory_space<vmem>> -> memref<128xi32, #tpu.memory_space<vmem>>
    %dma_start3A_26 = arith.constant 0 : i32
    %dma_start3A_27 = arith.constant 0 : i32
    %dma_start3A_28 = tpu.memref_slice %arg3[%dma_start3A_26, %dma_start3A_27] : memref<1000000x64xf32, #tpu.memory_space<hbm>> -> memref<1000000x64xf32, #tpu.memory_space<hbm>>
    tpu.enqueue_indirect_dma source(%dma_start3A_28 : memref<1000000x64xf32, #tpu.memory_space<hbm>>) target(%dma_start3A_22 : memref<128x64xf32, #tpu.memory_space<vmem>>) offsets(%dma_start3A_25 : memref<128xi32, #tpu.memory_space<vmem>>) semaphore(%arg11 : memref<!tpu.dma_semaphore, #tpu.memory_space<semaphore_mem>>)
    %dma_start3A_29 = arith.constant 2 : i32
    %dma_start3A_30 = arith.constant 256 : i32
    %dma_start3A_31 = arith.constant 0 : i32
    %dma_start3A_32 = tpu.memref_slice %arg8[%dma_start3A_30, %dma_start3A_31] : memref<512x64xf32, #tpu.memory_space<vmem>> -> memref<128x64xf32, #tpu.memory_space<vmem>>
    %dma_start3A_33 = arith.constant 0 : i32
    %dma_start3A_34 = tpu.memref_slice %arg6[%dma_start3A_29, %dma_start3A_33] : memref<4x128xi32, #tpu.memory_space<vmem>> -> memref<1x128xi32, #tpu.memory_space<vmem>>
    %dma_start3A_35 = tpu.memref_squeeze %dma_start3A_34 : memref<1x128xi32, #tpu.memory_space<vmem>> -> memref<128xi32, #tpu.memory_space<vmem>>
    %dma_start3A_36 = arith.constant 0 : i32
    %dma_start3A_37 = arith.constant 0 : i32
    %dma_start3A_38 = tpu.memref_slice %arg3[%dma_start3A_36, %dma_start3A_37] : memref<1000000x64xf32, #tpu.memory_space<hbm>> -> memref<1000000x64xf32, #tpu.memory_space<hbm>>
    tpu.enqueue_indirect_dma source(%dma_start3A_38 : memref<1000000x64xf32, #tpu.memory_space<hbm>>) target(%dma_start3A_32 : memref<128x64xf32, #tpu.memory_space<vmem>>) offsets(%dma_start3A_35 : memref<128xi32, #tpu.memory_space<vmem>>) semaphore(%arg11 : memref<!tpu.dma_semaphore, #tpu.memory_space<semaphore_mem>>)
    %dma_start3A_39 = arith.constant 3 : i32
    %dma_start3A_40 = arith.constant 384 : i32
    %dma_start3A_41 = arith.constant 0 : i32
    %dma_start3A_42 = tpu.memref_slice %arg8[%dma_start3A_40, %dma_start3A_41] : memref<512x64xf32, #tpu.memory_space<vmem>> -> memref<128x64xf32, #tpu.memory_space<vmem>>
    %dma_start3A_43 = arith.constant 0 : i32
    %dma_start3A_44 = tpu.memref_slice %arg6[%dma_start3A_39, %dma_start3A_43] : memref<4x128xi32, #tpu.memory_space<vmem>> -> memref<1x128xi32, #tpu.memory_space<vmem>>
    %dma_start3A_45 = tpu.memref_squeeze %dma_start3A_44 : memref<1x128xi32, #tpu.memory_space<vmem>> -> memref<128xi32, #tpu.memory_space<vmem>>
    %dma_start3A_46 = arith.constant 0 : i32
    %dma_start3A_47 = arith.constant 0 : i32
    %dma_start3A_48 = tpu.memref_slice %arg3[%dma_start3A_46, %dma_start3A_47] : memref<1000000x64xf32, #tpu.memory_space<hbm>> -> memref<1000000x64xf32, #tpu.memory_space<hbm>>
    tpu.enqueue_indirect_dma source(%dma_start3A_48 : memref<1000000x64xf32, #tpu.memory_space<hbm>>) target(%dma_start3A_42 : memref<128x64xf32, #tpu.memory_space<vmem>>) offsets(%dma_start3A_45 : memref<128xi32, #tpu.memory_space<vmem>>) semaphore(%arg11 : memref<!tpu.dma_semaphore, #tpu.memory_space<semaphore_mem>>)
    %scan3A = arith.constant 0 : i32
    %scan3A_49 = arith.constant 0 : i32
    %scan3A_50 = arith.constant 25 : i32
    %scan3A_51 = arith.addi %scan3A_49, %scan3A_50 : i32
    %scan3A_52 = arith.constant 1 : i32
    scf.for %scan3A_65 = %scan3A_49 to %scan3A_51 step %scan3A_52  : i32 {
      %mul3A_66 = arith.constant 2 : i32
      %mul3A_67 = arith.muli %mul3A_66, %scan3A_65 : i32
      %add3A_68 = arith.constant 1 : i32
      %add3A_69 = arith.addi %mul3A_67, %add3A_68 : i32
      %lt3A = arith.constant 50 : i32
      %lt3A_70 = arith.cmpi slt, %add3A_69, %lt3A : i32
      %convert_element_type3A = arith.extui %lt3A_70 : i1 to i32
      %cond3A = arith.constant 0 : i32
      %cond3A_71 = arith.cmpi ne, %convert_element_type3A, %cond3A : i32
      scf.if %cond3A_71 {
        %ge3A = arith.constant 1 : i32
        %ge3A_121 = arith.cmpi sge, %mul3A_67, %ge3A : i32
        %convert_element_type3A_122 = arith.extui %ge3A_121 : i1 to i32
        %cond3A_123 = arith.constant 0 : i32
        %cond3A_124 = arith.cmpi ne, %convert_element_type3A_122, %cond3A_123 : i32
        scf.if %cond3A_124 {
          %dma_wait3A_168 = arith.constant 0 : i32
          %dma_wait3A_169 = arith.constant 0 : i32
          %dma_wait3A_170 = tpu.memref_slice %arg5[%dma_wait3A_168, %dma_wait3A_169] : memref<819200x64xf32, #tpu.memory_space<hbm>> -> memref<512x64xf32, #tpu.memory_space<hbm>>
          %dma_wait3A_171 = arith.constant 0 : i32
          %dma_wait3A_172 = arith.constant 0 : i32
          %dma_wait3A_173 = tpu.memref_slice %arg5[%dma_wait3A_171, %dma_wait3A_172] : memref<819200x64xf32, #tpu.memory_space<hbm>> -> memref<512x64xf32, #tpu.memory_space<hbm>>
          tpu.wait_dma2 semaphore(%arg14 : memref<!tpu.dma_semaphore, #tpu.memory_space<semaphore_mem>>) src(%arg9 : memref<512x64xf32, #tpu.memory_space<vmem>>) dst(%dma_wait3A_173 : memref<512x64xf32, #tpu.memory_space<hbm>>)
        } else {
        }
        %mul3A_125 = arith.constant 4 : i32
        %mul3A_126 = arith.muli %add3A_69, %mul3A_125 : i32
        %add3A_127 = arith.addi %mul3A_2, %mul3A_126 : i32
        "tpu.region"() ({
          %run_scoped3A = tpu.sem_alloc : memref<!tpu.dma_semaphore, #tpu.memory_space<semaphore_mem>>
          %dma_start3A_168 = arith.constant 0 : i32
          %dma_start3A_169 = tpu.memref_slice %arg2[%add3A_127, %dma_start3A_168] : memref<6400x128xi32, #tpu.memory_space<hbm>> -> memref<4x128xi32, #tpu.memory_space<hbm>>
          %dma_start3A_170 = arith.constant 0 : i32
          %dma_start3A_171 = tpu.memref_slice %arg2[%add3A_127, %dma_start3A_170] : memref<6400x128xi32, #tpu.memory_space<hbm>> -> memref<4x128xi32, #tpu.memory_space<hbm>>
          tpu.enqueue_dma source(%dma_start3A_171 : memref<4x128xi32, #tpu.memory_space<hbm>>) target(%arg7 : memref<4x128xi32, #tpu.memory_space<vmem>>) target_semaphore(%run_scoped3A : memref<!tpu.dma_semaphore, #tpu.memory_space<semaphore_mem>>)
          %dma_wait3A_172 = arith.constant 0 : i32
          %dma_wait3A_173 = tpu.memref_slice %arg2[%add3A_127, %dma_wait3A_172] : memref<6400x128xi32, #tpu.memory_space<hbm>> -> memref<4x128xi32, #tpu.memory_space<hbm>>
          %dma_wait3A_174 = arith.constant 0 : i32
          %dma_wait3A_175 = tpu.memref_slice %arg2[%add3A_127, %dma_wait3A_174] : memref<6400x128xi32, #tpu.memory_space<hbm>> -> memref<4x128xi32, #tpu.memory_space<hbm>>
          tpu.wait_dma2 semaphore(%run_scoped3A : memref<!tpu.dma_semaphore, #tpu.memory_space<semaphore_mem>>) src(%dma_wait3A_175 : memref<4x128xi32, #tpu.memory_space<hbm>>) dst(%arg7 : memref<4x128xi32, #tpu.memory_space<vmem>>)
          tpu.yield
        }) : () -> ()
        %dma_start3A_128 = arith.constant 0 : i32
        %dma_start3A_129 = arith.constant 0 : i32
        %dma_start3A_130 = arith.constant 0 : i32
        %dma_start3A_131 = tpu.memref_slice %arg9[%dma_start3A_129, %dma_start3A_130] : memref<512x64xf32, #tpu.memory_space<vmem>> -> memref<128x64xf32, #tpu.memory_space<vmem>>
        %dma_start3A_132 = arith.constant 0 : i32
        %dma_start3A_133 = tpu.memref_slice %arg7[%dma_start3A_128, %dma_start3A_132] : memref<4x128xi32, #tpu.memory_space<vmem>> -> memref<1x128xi32, #tpu.memory_space<vmem>>
        %dma_start3A_134 = tpu.memref_squeeze %dma_start3A_133 : memref<1x128xi32, #tpu.memory_space<vmem>> -> memref<128xi32, #tpu.memory_space<vmem>>
        %dma_start3A_135 = arith.constant 0 : i32
        %dma_start3A_136 = arith.constant 0 : i32
        %dma_start3A_137 = tpu.memref_slice %arg3[%dma_start3A_135, %dma_start3A_136] : memref<1000000x64xf32, #tpu.memory_space<hbm>> -> memref<1000000x64xf32, #tpu.memory_space<hbm>>
        tpu.enqueue_indirect_dma source(%dma_start3A_137 : memref<1000000x64xf32, #tpu.memory_space<hbm>>) target(%dma_start3A_131 : memref<128x64xf32, #tpu.memory_space<vmem>>) offsets(%dma_start3A_134 : memref<128xi32, #tpu.memory_space<vmem>>) semaphore(%arg12 : memref<!tpu.dma_semaphore, #tpu.memory_space<semaphore_mem>>)
        %dma_start3A_138 = arith.constant 1 : i32
        %dma_start3A_139 = arith.constant 128 : i32
        %dma_start3A_140 = arith.constant 0 : i32
        %dma_start3A_141 = tpu.memref_slice %arg9[%dma_start3A_139, %dma_start3A_140] : memref<512x64xf32, #tpu.memory_space<vmem>> -> memref<128x64xf32, #tpu.memory_space<vmem>>
        %dma_start3A_142 = arith.constant 0 : i32
        %dma_start3A_143 = tpu.memref_slice %arg7[%dma_start3A_138, %dma_start3A_142] : memref<4x128xi32, #tpu.memory_space<vmem>> -> memref<1x128xi32, #tpu.memory_space<vmem>>
        %dma_start3A_144 = tpu.memref_squeeze %dma_start3A_143 : memref<1x128xi32, #tpu.memory_space<vmem>> -> memref<128xi32, #tpu.memory_space<vmem>>
        %dma_start3A_145 = arith.constant 0 : i32
        %dma_start3A_146 = arith.constant 0 : i32
        %dma_start3A_147 = tpu.memref_slice %arg3[%dma_start3A_145, %dma_start3A_146] : memref<1000000x64xf32, #tpu.memory_space<hbm>> -> memref<1000000x64xf32, #tpu.memory_space<hbm>>
        tpu.enqueue_indirect_dma source(%dma_start3A_147 : memref<1000000x64xf32, #tpu.memory_space<hbm>>) target(%dma_start3A_141 : memref<128x64xf32, #tpu.memory_space<vmem>>) offsets(%dma_start3A_144 : memref<128xi32, #tpu.memory_space<vmem>>) semaphore(%arg12 : memref<!tpu.dma_semaphore, #tpu.memory_space<semaphore_mem>>)
        %dma_start3A_148 = arith.constant 2 : i32
        %dma_start3A_149 = arith.constant 256 : i32
        %dma_start3A_150 = arith.constant 0 : i32
        %dma_start3A_151 = tpu.memref_slice %arg9[%dma_start3A_149, %dma_start3A_150] : memref<512x64xf32, #tpu.memory_space<vmem>> -> memref<128x64xf32, #tpu.memory_space<vmem>>
        %dma_start3A_152 = arith.constant 0 : i32
        %dma_start3A_153 = tpu.memref_slice %arg7[%dma_start3A_148, %dma_start3A_152] : memref<4x128xi32, #tpu.memory_space<vmem>> -> memref<1x128xi32, #tpu.memory_space<vmem>>
        %dma_start3A_154 = tpu.memref_squeeze %dma_start3A_153 : memref<1x128xi32, #tpu.memory_space<vmem>> -> memref<128xi32, #tpu.memory_space<vmem>>
        %dma_start3A_155 = arith.constant 0 : i32
        %dma_start3A_156 = arith.constant 0 : i32
        %dma_start3A_157 = tpu.memref_slice %arg3[%dma_start3A_155, %dma_start3A_156] : memref<1000000x64xf32, #tpu.memory_space<hbm>> -> memref<1000000x64xf32, #tpu.memory_space<hbm>>
        tpu.enqueue_indirect_dma source(%dma_start3A_157 : memref<1000000x64xf32, #tpu.memory_space<hbm>>) target(%dma_start3A_151 : memref<128x64xf32, #tpu.memory_space<vmem>>) offsets(%dma_start3A_154 : memref<128xi32, #tpu.memory_space<vmem>>) semaphore(%arg12 : memref<!tpu.dma_semaphore, #tpu.memory_space<semaphore_mem>>)
        %dma_start3A_158 = arith.constant 3 : i32
        %dma_start3A_159 = arith.constant 384 : i32
        %dma_start3A_160 = arith.constant 0 : i32
        %dma_start3A_161 = tpu.memref_slice %arg9[%dma_start3A_159, %dma_start3A_160] : memref<512x64xf32, #tpu.memory_space<vmem>> -> memref<128x64xf32, #tpu.memory_space<vmem>>
        %dma_start3A_162 = arith.constant 0 : i32
        %dma_start3A_163 = tpu.memref_slice %arg7[%dma_start3A_158, %dma_start3A_162] : memref<4x128xi32, #tpu.memory_space<vmem>> -> memref<1x128xi32, #tpu.memory_space<vmem>>
        %dma_start3A_164 = tpu.memref_squeeze %dma_start3A_163 : memref<1x128xi32, #tpu.memory_space<vmem>> -> memref<128xi32, #tpu.memory_space<vmem>>
        %dma_start3A_165 = arith.constant 0 : i32
        %dma_start3A_166 = arith.constant 0 : i32
        %dma_start3A_167 = tpu.memref_slice %arg3[%dma_start3A_165, %dma_start3A_166] : memref<1000000x64xf32, #tpu.memory_space<hbm>> -> memref<1000000x64xf32, #tpu.memory_space<hbm>>
        tpu.enqueue_indirect_dma source(%dma_start3A_167 : memref<1000000x64xf32, #tpu.memory_space<hbm>>) target(%dma_start3A_161 : memref<128x64xf32, #tpu.memory_space<vmem>>) offsets(%dma_start3A_164 : memref<128xi32, #tpu.memory_space<vmem>>) semaphore(%arg12 : memref<!tpu.dma_semaphore, #tpu.memory_space<semaphore_mem>>)
      } else {
      }
      %dma_wait3A_72 = arith.constant 0 : i32
      %dma_wait3A_73 = arith.constant 0 : i32
      %dma_wait3A_74 = tpu.memref_slice %arg5[%dma_wait3A_72, %dma_wait3A_73] : memref<819200x64xf32, #tpu.memory_space<hbm>> -> memref<512x64xf32, #tpu.memory_space<hbm>>
      %dma_wait3A_75 = arith.constant 0 : i32
      %dma_wait3A_76 = arith.constant 0 : i32
      %dma_wait3A_77 = tpu.memref_slice %arg5[%dma_wait3A_75, %dma_wait3A_76] : memref<819200x64xf32, #tpu.memory_space<hbm>> -> memref<512x64xf32, #tpu.memory_space<hbm>>
      tpu.wait_dma2 semaphore(%arg11 : memref<!tpu.dma_semaphore, #tpu.memory_space<semaphore_mem>>) src(%dma_wait3A_77 : memref<512x64xf32, #tpu.memory_space<hbm>>) dst(%arg8 : memref<512x64xf32, #tpu.memory_space<vmem>>)
      %scan3A_78 = arith.constant 0 : i32
      %scan3A_79 = arith.constant 0 : i32
      %scan3A_80 = arith.constant 512 : i32
      %scan3A_81 = arith.addi %scan3A_79, %scan3A_80 : i32
      %scan3A_82 = arith.constant 1 : i32
      scf.for %scan3A_121 = %scan3A_79 to %scan3A_81 step %scan3A_82  : i32 {
        %get3A_122 = arith.index_cast %scan3A_121 : i32 to index
        %get3A_123 = arith.constant 0 : index
        %get3A_124 = tpu.vector_load %arg8[%get3A_122, %get3A_123] {strides = array<i32>} : memref<512x64xf32, #tpu.memory_space<vmem>>, vector<1x16xf32>,
        %get3A_125 = vector.shape_cast %get3A_124 : vector<1x16xf32> to vector<16xf32>
        %get3A_126 = arith.index_cast %scan3A_121 : i32 to index
        %get3A_127 = arith.constant 16 : index
        %get3A_128 = tpu.vector_load %arg8[%get3A_126, %get3A_127] {strides = array<i32>} : memref<512x64xf32, #tpu.memory_space<vmem>>, vector<1x16xf32>,
        %get3A_129 = vector.shape_cast %get3A_128 : vector<1x16xf32> to vector<16xf32>
        %get3A_130 = arith.index_cast %scan3A_121 : i32 to index
        %get3A_131 = arith.constant 32 : index
        %get3A_132 = tpu.vector_load %arg8[%get3A_130, %get3A_131] {strides = array<i32>} : memref<512x64xf32, #tpu.memory_space<vmem>>, vector<1x16xf32>,
        %get3A_133 = vector.shape_cast %get3A_132 : vector<1x16xf32> to vector<16xf32>
        %get3A_134 = arith.index_cast %scan3A_121 : i32 to index
        %get3A_135 = arith.constant 48 : index
        %get3A_136 = tpu.vector_load %arg8[%get3A_134, %get3A_135] {strides = array<i32>} : memref<512x64xf32, #tpu.memory_space<vmem>>, vector<1x16xf32>,
        %get3A_137 = vector.shape_cast %get3A_136 : vector<1x16xf32> to vector<16xf32>
        %mul3A_138 = arith.mulf %get3A_125, %get3A_125 : vector<16xf32>
        %mul3A_139 = arith.mulf %get3A_129, %get3A_129 : vector<16xf32>
        %add3A_140 = arith.addf %mul3A_138, %mul3A_139 : vector<16xf32>
        %mul3A_141 = arith.mulf %get3A_133, %get3A_133 : vector<16xf32>
        %add3A_142 = arith.addf %add3A_140, %mul3A_141 : vector<16xf32>
        %mul3A_143 = arith.mulf %get3A_137, %get3A_137 : vector<16xf32>
        %add3A_144 = arith.addf %add3A_142, %mul3A_143 : vector<16xf32>
        %iota3A = tpu.iota {dimensions = array<i32: 0>} : vector<16xi32>
        %xor3A = arith.constant 8 : i32
        %xor3A_145 = vector.broadcast %xor3A : i32 to vector<16xi32>
        %xor3A_146 = arith.xori %iota3A, %xor3A_145 : vector<16xi32>
        %broadcast_in_dim3A = vector.shape_cast %xor3A_146 : vector<16xi32> to vector<16x1xi32>
        %gather3A = vector.shape_cast %broadcast_in_dim3A : vector<16x1xi32> to vector<16xi32>
        %gather3A_147 = tpu.dynamic_gather %add3A_144[%gather3A] in [0] : vector<16xf32>, vector<16xi32> -> vector<16xf32>
        %add3A_148 = arith.addf %add3A_144, %gather3A_147 : vector<16xf32>
        %xor3A_149 = arith.constant 4 : i32
        %xor3A_150 = vector.broadcast %xor3A_149 : i32 to vector<16xi32>
        %xor3A_151 = arith.xori %iota3A, %xor3A_150 : vector<16xi32>
        %broadcast_in_dim3A_152 = vector.shape_cast %xor3A_151 : vector<16xi32> to vector<16x1xi32>
        %gather3A_153 = vector.shape_cast %broadcast_in_dim3A_152 : vector<16x1xi32> to vector<16xi32>
        %gather3A_154 = tpu.dynamic_gather %add3A_148[%gather3A_153] in [0] : vector<16xf32>, vector<16xi32> -> vector<16xf32>
        %add3A_155 = arith.addf %add3A_148, %gather3A_154 : vector<16xf32>
        %xor3A_156 = arith.constant 2 : i32
        %xor3A_157 = vector.broadcast %xor3A_156 : i32 to vector<16xi32>
        %xor3A_158 = arith.xori %iota3A, %xor3A_157 : vector<16xi32>
        %broadcast_in_dim3A_159 = vector.shape_cast %xor3A_158 : vector<16xi32> to vector<16x1xi32>
        %gather3A_160 = vector.shape_cast %broadcast_in_dim3A_159 : vector<16x1xi32> to vector<16xi32>
        %gather3A_161 = tpu.dynamic_gather %add3A_155[%gather3A_160] in [0] : vector<16xf32>, vector<16xi32> -> vector<16xf32>
        %add3A_162 = arith.addf %add3A_155, %gather3A_161 : vector<16xf32>
        %xor3A_163 = arith.constant 1 : i32
        %xor3A_164 = vector.broadcast %xor3A_163 : i32 to vector<16xi32>
        %xor3A_165 = arith.xori %iota3A, %xor3A_164 : vector<16xi32>
        %broadcast_in_dim3A_166 = vector.shape_cast %xor3A_165 : vector<16xi32> to vector<16x1xi32>
        %gather3A_167 = vector.shape_cast %broadcast_in_dim3A_166 : vector<16x1xi32> to vector<16xi32>
        %gather3A_168 = tpu.dynamic_gather %add3A_162[%gather3A_167] in [0] : vector<16xf32>, vector<16xi32> -> vector<16xf32>
        %add3A_169 = arith.addf %add3A_162, %gather3A_168 : vector<16xf32>
        %slice3A_170 = vector.extract_strided_slice %add3A_169 {offsets = [0], sizes = [1], strides = [1]} : vector<16xf32> to vector<1xf32>
        %squeeze3A_171 = vector.extract %slice3A_170[0] : f32 from vector<1xf32>
        %mul3A_172 = arith.mulf %squeeze3A_171, %squeeze3A : f32
        %gt3A = arith.constant 2.500000e+01 : f32
        %gt3A_173 = arith.cmpf ogt, %mul3A_172, %gt3A : f32
        %convert_element_type3A_174 = arith.extui %gt3A_173 : i1 to i32
        %cond3A_175 = arith.constant 0 : i32
        %cond3A_176 = arith.cmpi ne, %convert_element_type3A_174, %cond3A_175 : i32
        scf.if %cond3A_176 {
          %mul3A_181 = arith.mulf %add3A_169, %mul3A_7 : vector<16xf32>
          %gt3A_182 = arith.constant 2.500000e+01 : f32
          %gt3A_183 = vector.broadcast %gt3A_182 : f32 to vector<16xf32>
          %gt3A_184 = arith.cmpf ogt, %mul3A_181, %gt3A_183 : vector<16xf32>
          %broadcast_in_dim3A_185 = arith.constant 1.000000e+00 : f32
          %broadcast_in_dim3A_186 = vector.broadcast %broadcast_in_dim3A_185 : f32 to vector<16xf32>
          %ge3A = arith.constant 1.84467441E+19 : f32
          %ge3A_187 = vector.broadcast %ge3A : f32 to vector<16xf32>
          %ge3A_188 = arith.cmpf oge, %mul3A_181, %ge3A_187 : vector<16xf32>
          %mul3A_189 = arith.constant 5.42101086E-20 : f32
          %mul3A_190 = vector.broadcast %mul3A_189 : f32 to vector<16xf32>
          %mul3A_191 = arith.mulf %mul3A_181, %mul3A_190 : vector<16xf32>
          %select_n3A = arith.select %ge3A_188, %mul3A_191, %mul3A_181 : vector<16xi1>, vector<16xf32>
          %mul3A_192 = arith.constant 2.32830644E-10 : f32
          %mul3A_193 = vector.broadcast %mul3A_192 : f32 to vector<16xf32>
          %mul3A_194 = arith.mulf %broadcast_in_dim3A_186, %mul3A_193 : vector<16xf32>
          %select_n3A_195 = arith.select %ge3A_188, %mul3A_194, %broadcast_in_dim3A_186 : vector<16xi1>, vector<16xf32>
          %ge3A_196 = arith.constant 4.2949673E+9 : f32
          %ge3A_197 = vector.broadcast %ge3A_196 : f32 to vector<16xf32>
          %ge3A_198 = arith.cmpf oge, %select_n3A, %ge3A_197 : vector<16xf32>
          %mul3A_199 = arith.constant 2.32830644E-10 : f32
          %mul3A_200 = vector.broadcast %mul3A_199 : f32 to vector<16xf32>
          %mul3A_201 = arith.mulf %select_n3A, %mul3A_200 : vector<16xf32>
          %select_n3A_202 = arith.select %ge3A_198, %mul3A_201, %select_n3A : vector<16xi1>, vector<16xf32>
          %mul3A_203 = arith.constant 1.52587891E-5 : f32
          %mul3A_204 = vector.broadcast %mul3A_203 : f32 to vector<16xf32>
          %mul3A_205 = arith.mulf %select_n3A_195, %mul3A_204 : vector<16xf32>
          %select_n3A_206 = arith.select %ge3A_198, %mul3A_205, %select_n3A_195 : vector<16xi1>, vector<16xf32>
          %ge3A_207 = arith.constant 6.553600e+04 : f32
          %ge3A_208 = vector.broadcast %ge3A_207 : f32 to vector<16xf32>
          %ge3A_209 = arith.cmpf oge, %select_n3A_202, %ge3A_208 : vector<16xf32>
          %mul3A_210 = arith.constant 1.52587891E-5 : f32
          %mul3A_211 = vector.broadcast %mul3A_210 : f32 to vector<16xf32>
          %mul3A_212 = arith.mulf %select_n3A_202, %mul3A_211 : vector<16xf32>
          %select_n3A_213 = arith.select %ge3A_209, %mul3A_212, %select_n3A_202 : vector<16xi1>, vector<16xf32>
          %mul3A_214 = arith.constant 3.906250e-03 : f32
          %mul3A_215 = vector.broadcast %mul3A_214 : f32 to vector<16xf32>
          %mul3A_216 = arith.mulf %select_n3A_206, %mul3A_215 : vector<16xf32>
          %select_n3A_217 = arith.select %ge3A_209, %mul3A_216, %select_n3A_206 : vector<16xi1>, vector<16xf32>
          %ge3A_218 = arith.constant 2.560000e+02 : f32
          %ge3A_219 = vector.broadcast %ge3A_218 : f32 to vector<16xf32>
          %ge3A_220 = arith.cmpf oge, %select_n3A_213, %ge3A_219 : vector<16xf32>
          %mul3A_221 = arith.constant 3.906250e-03 : f32
          %mul3A_222 = vector.broadcast %mul3A_221 : f32 to vector<16xf32>
          %mul3A_223 = arith.mulf %select_n3A_213, %mul3A_222 : vector<16xf32>
          %select_n3A_224 = arith.select %ge3A_220, %mul3A_223, %select_n3A_213 : vector<16xi1>, vector<16xf32>
          %mul3A_225 = arith.constant 6.250000e-02 : f32
          %mul3A_226 = vector.broadcast %mul3A_225 : f32 to vector<16xf32>
          %mul3A_227 = arith.mulf %select_n3A_217, %mul3A_226 : vector<16xf32>
          %select_n3A_228 = arith.select %ge3A_220, %mul3A_227, %select_n3A_217 : vector<16xi1>, vector<16xf32>
          %ge3A_229 = arith.constant 1.600000e+01 : f32
          %ge3A_230 = vector.broadcast %ge3A_229 : f32 to vector<16xf32>
          %ge3A_231 = arith.cmpf oge, %select_n3A_224, %ge3A_230 : vector<16xf32>
          %mul3A_232 = arith.constant 6.250000e-02 : f32
          %mul3A_233 = vector.broadcast %mul3A_232 : f32 to vector<16xf32>
          %mul3A_234 = arith.mulf %select_n3A_224, %mul3A_233 : vector<16xf32>
          %select_n3A_235 = arith.select %ge3A_231, %mul3A_234, %select_n3A_224 : vector<16xi1>, vector<16xf32>
          %mul3A_236 = arith.constant 2.500000e-01 : f32
          %mul3A_237 = vector.broadcast %mul3A_236 : f32 to vector<16xf32>
          %mul3A_238 = arith.mulf %select_n3A_228, %mul3A_237 : vector<16xf32>
          %select_n3A_239 = arith.select %ge3A_231, %mul3A_238, %select_n3A_228 : vector<16xi1>, vector<16xf32>
          %ge3A_240 = arith.constant 4.000000e+00 : f32
          %ge3A_241 = vector.broadcast %ge3A_240 : f32 to vector<16xf32>
          %ge3A_242 = arith.cmpf oge, %select_n3A_235, %ge3A_241 : vector<16xf32>
          %mul3A_243 = arith.constant 2.500000e-01 : f32
          %mul3A_244 = vector.broadcast %mul3A_243 : f32 to vector<16xf32>
          %mul3A_245 = arith.mulf %select_n3A_235, %mul3A_244 : vector<16xf32>
          %select_n3A_246 = arith.select %ge3A_242, %mul3A_245, %select_n3A_235 : vector<16xi1>, vector<16xf32>
          %mul3A_247 = arith.constant 5.000000e-01 : f32
          %mul3A_248 = vector.broadcast %mul3A_247 : f32 to vector<16xf32>
          %mul3A_249 = arith.mulf %select_n3A_239, %mul3A_248 : vector<16xf32>
          %select_n3A_250 = arith.select %ge3A_242, %mul3A_249, %select_n3A_239 : vector<16xi1>, vector<16xf32>
          %div3A = arith.constant 1.000000e+00 : f32
          %div3A_251 = vector.broadcast %div3A : f32 to vector<16xf32>
          %div3A_252 = arith.divf %div3A_251, %select_n3A_246 : vector<16xf32>
          %mul3A_253 = arith.constant 5.000000e-01 : f32
          %mul3A_254 = vector.broadcast %mul3A_253 : f32 to vector<16xf32>
          %mul3A_255 = arith.mulf %mul3A_254, %select_n3A_246 : vector<16xf32>
          %mul3A_256 = arith.mulf %mul3A_255, %div3A_252 : vector<16xf32>
          %mul3A_257 = arith.mulf %mul3A_256, %div3A_252 : vector<16xf32>
          %sub3A = arith.constant 1.500000e+00 : f32
          %sub3A_258 = vector.broadcast %sub3A : f32 to vector<16xf32>
          %sub3A_259 = arith.subf %sub3A_258, %mul3A_257 : vector<16xf32>
          %mul3A_260 = arith.mulf %div3A_252, %sub3A_259 : vector<16xf32>
          %mul3A_261 = arith.constant 5.000000e-01 : f32
          %mul3A_262 = vector.broadcast %mul3A_261 : f32 to vector<16xf32>
          %mul3A_263 = arith.mulf %mul3A_262, %select_n3A_246 : vector<16xf32>
          %mul3A_264 = arith.mulf %mul3A_263, %mul3A_260 : vector<16xf32>
          %mul3A_265 = arith.mulf %mul3A_264, %mul3A_260 : vector<16xf32>
          %sub3A_266 = arith.constant 1.500000e+00 : f32
          %sub3A_267 = vector.broadcast %sub3A_266 : f32 to vector<16xf32>
          %sub3A_268 = arith.subf %sub3A_267, %mul3A_265 : vector<16xf32>
          %mul3A_269 = arith.mulf %mul3A_260, %sub3A_268 : vector<16xf32>
          %mul3A_270 = arith.constant 5.000000e-01 : f32
          %mul3A_271 = vector.broadcast %mul3A_270 : f32 to vector<16xf32>
          %mul3A_272 = arith.mulf %mul3A_271, %select_n3A_246 : vector<16xf32>
          %mul3A_273 = arith.mulf %mul3A_272, %mul3A_269 : vector<16xf32>
          %mul3A_274 = arith.mulf %mul3A_273, %mul3A_269 : vector<16xf32>
          %sub3A_275 = arith.constant 1.500000e+00 : f32
          %sub3A_276 = vector.broadcast %sub3A_275 : f32 to vector<16xf32>
          %sub3A_277 = arith.subf %sub3A_276, %mul3A_274 : vector<16xf32>
          %mul3A_278 = arith.mulf %mul3A_269, %sub3A_277 : vector<16xf32>
          %mul3A_279 = arith.constant 5.000000e-01 : f32
          %mul3A_280 = vector.broadcast %mul3A_279 : f32 to vector<16xf32>
          %mul3A_281 = arith.mulf %mul3A_280, %select_n3A_246 : vector<16xf32>
          %mul3A_282 = arith.mulf %mul3A_281, %mul3A_278 : vector<16xf32>
          %mul3A_283 = arith.mulf %mul3A_282, %mul3A_278 : vector<16xf32>
          %sub3A_284 = arith.constant 1.500000e+00 : f32
          %sub3A_285 = vector.broadcast %sub3A_284 : f32 to vector<16xf32>
          %sub3A_286 = arith.subf %sub3A_285, %mul3A_283 : vector<16xf32>
          %mul3A_287 = arith.mulf %mul3A_278, %sub3A_286 : vector<16xf32>
          %mul3A_288 = arith.constant 5.000000e-01 : f32
          %mul3A_289 = vector.broadcast %mul3A_288 : f32 to vector<16xf32>
          %mul3A_290 = arith.mulf %mul3A_289, %select_n3A_246 : vector<16xf32>
          %mul3A_291 = arith.mulf %mul3A_290, %mul3A_287 : vector<16xf32>
          %mul3A_292 = arith.mulf %mul3A_291, %mul3A_287 : vector<16xf32>
          %sub3A_293 = arith.constant 1.500000e+00 : f32
          %sub3A_294 = vector.broadcast %sub3A_293 : f32 to vector<16xf32>
          %sub3A_295 = arith.subf %sub3A_294, %mul3A_292 : vector<16xf32>
          %mul3A_296 = arith.mulf %mul3A_287, %sub3A_295 : vector<16xf32>
          %mul3A_297 = arith.constant 5.000000e-01 : f32
          %mul3A_298 = vector.broadcast %mul3A_297 : f32 to vector<16xf32>
          %mul3A_299 = arith.mulf %mul3A_298, %select_n3A_246 : vector<16xf32>
          %mul3A_300 = arith.mulf %mul3A_299, %mul3A_296 : vector<16xf32>
          %mul3A_301 = arith.mulf %mul3A_300, %mul3A_296 : vector<16xf32>
          %sub3A_302 = arith.constant 1.500000e+00 : f32
          %sub3A_303 = vector.broadcast %sub3A_302 : f32 to vector<16xf32>
          %sub3A_304 = arith.subf %sub3A_303, %mul3A_301 : vector<16xf32>
          %mul3A_305 = arith.mulf %mul3A_296, %sub3A_304 : vector<16xf32>
          %mul3A_306 = arith.mulf %mul3A_305, %select_n3A_250 : vector<16xf32>
          %mul3A_307 = arith.constant 5.000000e+00 : f32
          %mul3A_308 = vector.broadcast %mul3A_307 : f32 to vector<16xf32>
          %mul3A_309 = arith.mulf %mul3A_308, %mul3A_306 : vector<16xf32>
          %broadcast_in_dim3A_310 = arith.constant 1.000000e+00 : f32
          %broadcast_in_dim3A_311 = vector.broadcast %broadcast_in_dim3A_310 : f32 to vector<16xf32>
          %select_n3A_312 = arith.select %gt3A_184, %mul3A_309, %broadcast_in_dim3A_311 : vector<16xi1>, vector<16xf32>
          %mul3A_313 = arith.mulf %select_n3A_312, %get3A_6 : vector<16xf32>
          %mul3A_314 = arith.mulf %get3A_125, %mul3A_313 : vector<16xf32>
          %swap3A = arith.index_cast %scan3A_121 : i32 to index
          %swap3A_315 = arith.constant 0 : index
          %swap3A_316 = tpu.vector_load %arg8[%swap3A, %swap3A_315] {strides = array<i32>} : memref<512x64xf32, #tpu.memory_space<vmem>>, vector<1x16xf32>,
          %swap3A_317 = vector.shape_cast %swap3A_316 : vector<1x16xf32> to vector<16xf32>
          %swap3A_318 = vector.shape_cast %mul3A_314 : vector<16xf32> to vector<1x16xf32>
          tpu.vector_store %arg8[%swap3A, %swap3A_315], %swap3A_318 {strides = array<i32>} : memref<512x64xf32, #tpu.memory_space<vmem>>, vector<1x16xf32>,
          %mul3A_319 = arith.mulf %get3A_129, %mul3A_313 : vector<16xf32>
          %swap3A_320 = arith.index_cast %scan3A_121 : i32 to index
          %swap3A_321 = arith.constant 16 : index
          %swap3A_322 = tpu.vector_load %arg8[%swap3A_320, %swap3A_321] {strides = array<i32>} : memref<512x64xf32, #tpu.memory_space<vmem>>, vector<1x16xf32>,
          %swap3A_323 = vector.shape_cast %swap3A_322 : vector<1x16xf32> to vector<16xf32>
          %swap3A_324 = vector.shape_cast %mul3A_319 : vector<16xf32> to vector<1x16xf32>
          tpu.vector_store %arg8[%swap3A_320, %swap3A_321], %swap3A_324 {strides = array<i32>} : memref<512x64xf32, #tpu.memory_space<vmem>>, vector<1x16xf32>,
          %mul3A_325 = arith.mulf %get3A_133, %mul3A_313 : vector<16xf32>
          %swap3A_326 = arith.index_cast %scan3A_121 : i32 to index
          %swap3A_327 = arith.constant 32 : index
          %swap3A_328 = tpu.vector_load %arg8[%swap3A_326, %swap3A_327] {strides = array<i32>} : memref<512x64xf32, #tpu.memory_space<vmem>>, vector<1x16xf32>,
          %swap3A_329 = vector.shape_cast %swap3A_328 : vector<1x16xf32> to vector<16xf32>
          %swap3A_330 = vector.shape_cast %mul3A_325 : vector<16xf32> to vector<1x16xf32>
          tpu.vector_store %arg8[%swap3A_326, %swap3A_327], %swap3A_330 {strides = array<i32>} : memref<512x64xf32, #tpu.memory_space<vmem>>, vector<1x16xf32>,
          %mul3A_331 = arith.mulf %get3A_137, %mul3A_313 : vector<16xf32>
          %swap3A_332 = arith.index_cast %scan3A_121 : i32 to index
          %swap3A_333 = arith.constant 48 : index
          %swap3A_334 = tpu.vector_load %arg8[%swap3A_332, %swap3A_333] {strides = array<i32>} : memref<512x64xf32, #tpu.memory_space<vmem>>, vector<1x16xf32>,
          %swap3A_335 = vector.shape_cast %swap3A_334 : vector<1x16xf32> to vector<16xf32>
          %swap3A_336 = vector.shape_cast %mul3A_331 : vector<16xf32> to vector<1x16xf32>
          tpu.vector_store %arg8[%swap3A_332, %swap3A_333], %swap3A_336 {strides = array<i32>} : memref<512x64xf32, #tpu.memory_space<vmem>>, vector<1x16xf32>,
        } else {
        }
        %not3A = arith.constant true
        %not3A_177 = arith.xori %gt3A_173, %not3A : i1
        %convert_element_type3A_178 = arith.extui %not3A_177 : i1 to i32
        %cond3A_179 = arith.constant 0 : i32
        %cond3A_180 = arith.cmpi ne, %convert_element_type3A_178, %cond3A_179 : i32
        scf.if %cond3A_180 {
          %mul3A_181 = arith.mulf %get3A_125, %get3A_6 : vector<16xf32>
          %swap3A = arith.index_cast %scan3A_121 : i32 to index
          %swap3A_182 = arith.constant 0 : index
          %swap3A_183 = tpu.vector_load %arg8[%swap3A, %swap3A_182] {strides = array<i32>} : memref<512x64xf32, #tpu.memory_space<vmem>>, vector<1x16xf32>,
          %swap3A_184 = vector.shape_cast %swap3A_183 : vector<1x16xf32> to vector<16xf32>
          %swap3A_185 = vector.shape_cast %mul3A_181 : vector<16xf32> to vector<1x16xf32>
          tpu.vector_store %arg8[%swap3A, %swap3A_182], %swap3A_185 {strides = array<i32>} : memref<512x64xf32, #tpu.memory_space<vmem>>, vector<1x16xf32>,
          %mul3A_186 = arith.mulf %get3A_129, %get3A_6 : vector<16xf32>
          %swap3A_187 = arith.index_cast %scan3A_121 : i32 to index
          %swap3A_188 = arith.constant 16 : index
          %swap3A_189 = tpu.vector_load %arg8[%swap3A_187, %swap3A_188] {strides = array<i32>} : memref<512x64xf32, #tpu.memory_space<vmem>>, vector<1x16xf32>,
          %swap3A_190 = vector.shape_cast %swap3A_189 : vector<1x16xf32> to vector<16xf32>
          %swap3A_191 = vector.shape_cast %mul3A_186 : vector<16xf32> to vector<1x16xf32>
          tpu.vector_store %arg8[%swap3A_187, %swap3A_188], %swap3A_191 {strides = array<i32>} : memref<512x64xf32, #tpu.memory_space<vmem>>, vector<1x16xf32>,
          %mul3A_192 = arith.mulf %get3A_133, %get3A_6 : vector<16xf32>
          %swap3A_193 = arith.index_cast %scan3A_121 : i32 to index
          %swap3A_194 = arith.constant 32 : index
          %swap3A_195 = tpu.vector_load %arg8[%swap3A_193, %swap3A_194] {strides = array<i32>} : memref<512x64xf32, #tpu.memory_space<vmem>>, vector<1x16xf32>,
          %swap3A_196 = vector.shape_cast %swap3A_195 : vector<1x16xf32> to vector<16xf32>
          %swap3A_197 = vector.shape_cast %mul3A_192 : vector<16xf32> to vector<1x16xf32>
          tpu.vector_store %arg8[%swap3A_193, %swap3A_194], %swap3A_197 {strides = array<i32>} : memref<512x64xf32, #tpu.memory_space<vmem>>, vector<1x16xf32>,
          %mul3A_198 = arith.mulf %get3A_137, %get3A_6 : vector<16xf32>
          %swap3A_199 = arith.index_cast %scan3A_121 : i32 to index
          %swap3A_200 = arith.constant 48 : index
          %swap3A_201 = tpu.vector_load %arg8[%swap3A_199, %swap3A_200] {strides = array<i32>} : memref<512x64xf32, #tpu.memory_space<vmem>>, vector<1x16xf32>,
          %swap3A_202 = vector.shape_cast %swap3A_201 : vector<1x16xf32> to vector<16xf32>
          %swap3A_203 = vector.shape_cast %mul3A_198 : vector<16xf32> to vector<1x16xf32>
          tpu.vector_store %arg8[%swap3A_199, %swap3A_200], %swap3A_203 {strides = array<i32>} : memref<512x64xf32, #tpu.memory_space<vmem>>, vector<1x16xf32>,
        } else {
        }
      }
      %scan3A_83 = arith.constant 512 : i32
      %mul3A_84 = arith.constant 512 : i32
      %mul3A_85 = arith.muli %mul3A_67, %mul3A_84 : i32
      %add3A_86 = arith.addi %mul3A_4, %mul3A_85 : i32
      %dma_start3A_87 = arith.constant 0 : i32
      %dma_start3A_88 = tpu.memref_slice %arg5[%add3A_86, %dma_start3A_87] : memref<819200x64xf32, #tpu.memory_space<hbm>> -> memref<512x64xf32, #tpu.memory_space<hbm>>
      %dma_start3A_89 = arith.constant 0 : i32
      %dma_start3A_90 = tpu.memref_slice %arg5[%add3A_86, %dma_start3A_89] : memref<819200x64xf32, #tpu.memory_space<hbm>> -> memref<512x64xf32, #tpu.memory_space<hbm>>
      tpu.enqueue_dma source(%arg8 : memref<512x64xf32, #tpu.memory_space<vmem>>) target(%dma_start3A_90 : memref<512x64xf32, #tpu.memory_space<hbm>>) target_semaphore(%arg13 : memref<!tpu.dma_semaphore, #tpu.memory_space<semaphore_mem>>)
      %mul3A_91 = arith.constant 2 : i32
      %mul3A_92 = arith.muli %mul3A_91, %scan3A_65 : i32
      %add3A_93 = arith.constant 1 : i32
      %add3A_94 = arith.addi %mul3A_92, %add3A_93 : i32
      %add3A_95 = arith.constant 1 : i32
      %add3A_96 = arith.addi %add3A_94, %add3A_95 : i32
      %lt3A_97 = arith.constant 50 : i32
      %lt3A_98 = arith.cmpi slt, %add3A_96, %lt3A_97 : i32
      %convert_element_type3A_99 = arith.extui %lt3A_98 : i1 to i32
      %cond3A_100 = arith.constant 0 : i32
      %cond3A_101 = arith.cmpi ne, %convert_element_type3A_99, %cond3A_100 : i32
      scf.if %cond3A_101 {
        %ge3A = arith.constant 1 : i32
        %ge3A_121 = arith.cmpi sge, %add3A_94, %ge3A : i32
        %convert_element_type3A_122 = arith.extui %ge3A_121 : i1 to i32
        %cond3A_123 = arith.constant 0 : i32
        %cond3A_124 = arith.cmpi ne, %convert_element_type3A_122, %cond3A_123 : i32
        scf.if %cond3A_124 {
          %dma_wait3A_168 = arith.constant 0 : i32
          %dma_wait3A_169 = arith.constant 0 : i32
          %dma_wait3A_170 = tpu.memref_slice %arg5[%dma_wait3A_168, %dma_wait3A_169] : memref<819200x64xf32, #tpu.memory_space<hbm>> -> memref<512x64xf32, #tpu.memory_space<hbm>>
          %dma_wait3A_171 = arith.constant 0 : i32
          %dma_wait3A_172 = arith.constant 0 : i32
          %dma_wait3A_173 = tpu.memref_slice %arg5[%dma_wait3A_171, %dma_wait3A_172] : memref<819200x64xf32, #tpu.memory_space<hbm>> -> memref<512x64xf32, #tpu.memory_space<hbm>>
          tpu.wait_dma2 semaphore(%arg13 : memref<!tpu.dma_semaphore, #tpu.memory_space<semaphore_mem>>) src(%arg8 : memref<512x64xf32, #tpu.memory_space<vmem>>) dst(%dma_wait3A_173 : memref<512x64xf32, #tpu.memory_space<hbm>>)
        } else {
        }
        %mul3A_125 = arith.constant 4 : i32
        %mul3A_126 = arith.muli %add3A_96, %mul3A_125 : i32
        %add3A_127 = arith.addi %mul3A_2, %mul3A_126 : i32
        "tpu.region"() ({
          %run_scoped3A = tpu.sem_alloc : memref<!tpu.dma_semaphore, #tpu.memory_space<semaphore_mem>>
          %dma_start3A_168 = arith.constant 0 : i32
          %dma_start3A_169 = tpu.memref_slice %arg2[%add3A_127, %dma_start3A_168] : memref<6400x128xi32, #tpu.memory_space<hbm>> -> memref<4x128xi32, #tpu.memory_space<hbm>>
          %dma_start3A_170 = arith.constant 0 : i32
          %dma_start3A_171 = tpu.memref_slice %arg2[%add3A_127, %dma_start3A_170] : memref<6400x128xi32, #tpu.memory_space<hbm>> -> memref<4x128xi32, #tpu.memory_space<hbm>>
          tpu.enqueue_dma source(%dma_start3A_171 : memref<4x128xi32, #tpu.memory_space<hbm>>) target(%arg6 : memref<4x128xi32, #tpu.memory_space<vmem>>) target_semaphore(%run_scoped3A : memref<!tpu.dma_semaphore, #tpu.memory_space<semaphore_mem>>)
          %dma_wait3A_172 = arith.constant 0 : i32
          %dma_wait3A_173 = tpu.memref_slice %arg2[%add3A_127, %dma_wait3A_172] : memref<6400x128xi32, #tpu.memory_space<hbm>> -> memref<4x128xi32, #tpu.memory_space<hbm>>
          %dma_wait3A_174 = arith.constant 0 : i32
          %dma_wait3A_175 = tpu.memref_slice %arg2[%add3A_127, %dma_wait3A_174] : memref<6400x128xi32, #tpu.memory_space<hbm>> -> memref<4x128xi32, #tpu.memory_space<hbm>>
          tpu.wait_dma2 semaphore(%run_scoped3A : memref<!tpu.dma_semaphore, #tpu.memory_space<semaphore_mem>>) src(%dma_wait3A_175 : memref<4x128xi32, #tpu.memory_space<hbm>>) dst(%arg6 : memref<4x128xi32, #tpu.memory_space<vmem>>)
          tpu.yield
        }) : () -> ()
        %dma_start3A_128 = arith.constant 0 : i32
        %dma_start3A_129 = arith.constant 0 : i32
        %dma_start3A_130 = arith.constant 0 : i32
        %dma_start3A_131 = tpu.memref_slice %arg8[%dma_start3A_129, %dma_start3A_130] : memref<512x64xf32, #tpu.memory_space<vmem>> -> memref<128x64xf32, #tpu.memory_space<vmem>>
        %dma_start3A_132 = arith.constant 0 : i32
        %dma_start3A_133 = tpu.memref_slice %arg6[%dma_start3A_128, %dma_start3A_132] : memref<4x128xi32, #tpu.memory_space<vmem>> -> memref<1x128xi32, #tpu.memory_space<vmem>>
        %dma_start3A_134 = tpu.memref_squeeze %dma_start3A_133 : memref<1x128xi32, #tpu.memory_space<vmem>> -> memref<128xi32, #tpu.memory_space<vmem>>
        %dma_start3A_135 = arith.constant 0 : i32
        %dma_start3A_136 = arith.constant 0 : i32
        %dma_start3A_137 = tpu.memref_slice %arg3[%dma_start3A_135, %dma_start3A_136] : memref<1000000x64xf32, #tpu.memory_space<hbm>> -> memref<1000000x64xf32, #tpu.memory_space<hbm>>
        tpu.enqueue_indirect_dma source(%dma_start3A_137 : memref<1000000x64xf32, #tpu.memory_space<hbm>>) target(%dma_start3A_131 : memref<128x64xf32, #tpu.memory_space<vmem>>) offsets(%dma_start3A_134 : memref<128xi32, #tpu.memory_space<vmem>>) semaphore(%arg11 : memref<!tpu.dma_semaphore, #tpu.memory_space<semaphore_mem>>)
        %dma_start3A_138 = arith.constant 1 : i32
        %dma_start3A_139 = arith.constant 128 : i32
        %dma_start3A_140 = arith.constant 0 : i32
        %dma_start3A_141 = tpu.memref_slice %arg8[%dma_start3A_139, %dma_start3A_140] : memref<512x64xf32, #tpu.memory_space<vmem>> -> memref<128x64xf32, #tpu.memory_space<vmem>>
        %dma_start3A_142 = arith.constant 0 : i32
        %dma_start3A_143 = tpu.memref_slice %arg6[%dma_start3A_138, %dma_start3A_142] : memref<4x128xi32, #tpu.memory_space<vmem>> -> memref<1x128xi32, #tpu.memory_space<vmem>>
        %dma_start3A_144 = tpu.memref_squeeze %dma_start3A_143 : memref<1x128xi32, #tpu.memory_space<vmem>> -> memref<128xi32, #tpu.memory_space<vmem>>
        %dma_start3A_145 = arith.constant 0 : i32
        %dma_start3A_146 = arith.constant 0 : i32
        %dma_start3A_147 = tpu.memref_slice %arg3[%dma_start3A_145, %dma_start3A_146] : memref<1000000x64xf32, #tpu.memory_space<hbm>> -> memref<1000000x64xf32, #tpu.memory_space<hbm>>
        tpu.enqueue_indirect_dma source(%dma_start3A_147 : memref<1000000x64xf32, #tpu.memory_space<hbm>>) target(%dma_start3A_141 : memref<128x64xf32, #tpu.memory_space<vmem>>) offsets(%dma_start3A_144 : memref<128xi32, #tpu.memory_space<vmem>>) semaphore(%arg11 : memref<!tpu.dma_semaphore, #tpu.memory_space<semaphore_mem>>)
        %dma_start3A_148 = arith.constant 2 : i32
        %dma_start3A_149 = arith.constant 256 : i32
        %dma_start3A_150 = arith.constant 0 : i32
        %dma_start3A_151 = tpu.memref_slice %arg8[%dma_start3A_149, %dma_start3A_150] : memref<512x64xf32, #tpu.memory_space<vmem>> -> memref<128x64xf32, #tpu.memory_space<vmem>>
        %dma_start3A_152 = arith.constant 0 : i32
        %dma_start3A_153 = tpu.memref_slice %arg6[%dma_start3A_148, %dma_start3A_152] : memref<4x128xi32, #tpu.memory_space<vmem>> -> memref<1x128xi32, #tpu.memory_space<vmem>>
        %dma_start3A_154 = tpu.memref_squeeze %dma_start3A_153 : memref<1x128xi32, #tpu.memory_space<vmem>> -> memref<128xi32, #tpu.memory_space<vmem>>
        %dma_start3A_155 = arith.constant 0 : i32
        %dma_start3A_156 = arith.constant 0 : i32
        %dma_start3A_157 = tpu.memref_slice %arg3[%dma_start3A_155, %dma_start3A_156] : memref<1000000x64xf32, #tpu.memory_space<hbm>> -> memref<1000000x64xf32, #tpu.memory_space<hbm>>
        tpu.enqueue_indirect_dma source(%dma_start3A_157 : memref<1000000x64xf32, #tpu.memory_space<hbm>>) target(%dma_start3A_151 : memref<128x64xf32, #tpu.memory_space<vmem>>) offsets(%dma_start3A_154 : memref<128xi32, #tpu.memory_space<vmem>>) semaphore(%arg11 : memref<!tpu.dma_semaphore, #tpu.memory_space<semaphore_mem>>)
        %dma_start3A_158 = arith.constant 3 : i32
        %dma_start3A_159 = arith.constant 384 : i32
        %dma_start3A_160 = arith.constant 0 : i32
        %dma_start3A_161 = tpu.memref_slice %arg8[%dma_start3A_159, %dma_start3A_160] : memref<512x64xf32, #tpu.memory_space<vmem>> -> memref<128x64xf32, #tpu.memory_space<vmem>>
        %dma_start3A_162 = arith.constant 0 : i32
        %dma_start3A_163 = tpu.memref_slice %arg6[%dma_start3A_158, %dma_start3A_162] : memref<4x128xi32, #tpu.memory_space<vmem>> -> memref<1x128xi32, #tpu.memory_space<vmem>>
        %dma_start3A_164 = tpu.memref_squeeze %dma_start3A_163 : memref<1x128xi32, #tpu.memory_space<vmem>> -> memref<128xi32, #tpu.memory_space<vmem>>
        %dma_start3A_165 = arith.constant 0 : i32
        %dma_start3A_166 = arith.constant 0 : i32
        %dma_start3A_167 = tpu.memref_slice %arg3[%dma_start3A_165, %dma_start3A_166] : memref<1000000x64xf32, #tpu.memory_space<hbm>> -> memref<1000000x64xf32, #tpu.memory_space<hbm>>
        tpu.enqueue_indirect_dma source(%dma_start3A_167 : memref<1000000x64xf32, #tpu.memory_space<hbm>>) target(%dma_start3A_161 : memref<128x64xf32, #tpu.memory_space<vmem>>) offsets(%dma_start3A_164 : memref<128xi32, #tpu.memory_space<vmem>>) semaphore(%arg11 : memref<!tpu.dma_semaphore, #tpu.memory_space<semaphore_mem>>)
      } else {
      }
      %dma_wait3A_102 = arith.constant 0 : i32
      %dma_wait3A_103 = arith.constant 0 : i32
      %dma_wait3A_104 = tpu.memref_slice %arg5[%dma_wait3A_102, %dma_wait3A_103] : memref<819200x64xf32, #tpu.memory_space<hbm>> -> memref<512x64xf32, #tpu.memory_space<hbm>>
      %dma_wait3A_105 = arith.constant 0 : i32
      %dma_wait3A_106 = arith.constant 0 : i32
      %dma_wait3A_107 = tpu.memref_slice %arg5[%dma_wait3A_105, %dma_wait3A_106] : memref<819200x64xf32, #tpu.memory_space<hbm>> -> memref<512x64xf32, #tpu.memory_space<hbm>>
      tpu.wait_dma2 semaphore(%arg12 : memref<!tpu.dma_semaphore, #tpu.memory_space<semaphore_mem>>) src(%dma_wait3A_107 : memref<512x64xf32, #tpu.memory_space<hbm>>) dst(%arg9 : memref<512x64xf32, #tpu.memory_space<vmem>>)
      %scan3A_108 = arith.constant 0 : i32
      %scan3A_109 = arith.constant 0 : i32
      %scan3A_110 = arith.constant 512 : i32
      %scan3A_111 = arith.addi %scan3A_109, %scan3A_110 : i32
      %scan3A_112 = arith.constant 1 : i32
      scf.for %scan3A_121 = %scan3A_109 to %scan3A_111 step %scan3A_112  : i32 {
        %get3A_122 = arith.index_cast %scan3A_121 : i32 to index
        %get3A_123 = arith.constant 0 : index
        %get3A_124 = tpu.vector_load %arg9[%get3A_122, %get3A_123] {strides = array<i32>} : memref<512x64xf32, #tpu.memory_space<vmem>>, vector<1x16xf32>,
        %get3A_125 = vector.shape_cast %get3A_124 : vector<1x16xf32> to vector<16xf32>
        %get3A_126 = arith.index_cast %scan3A_121 : i32 to index
        %get3A_127 = arith.constant 16 : index
        %get3A_128 = tpu.vector_load %arg9[%get3A_126, %get3A_127] {strides = array<i32>} : memref<512x64xf32, #tpu.memory_space<vmem>>, vector<1x16xf32>,
        %get3A_129 = vector.shape_cast %get3A_128 : vector<1x16xf32> to vector<16xf32>
        %get3A_130 = arith.index_cast %scan3A_121 : i32 to index
        %get3A_131 = arith.constant 32 : index
        %get3A_132 = tpu.vector_load %arg9[%get3A_130, %get3A_131] {strides = array<i32>} : memref<512x64xf32, #tpu.memory_space<vmem>>, vector<1x16xf32>,
        %get3A_133 = vector.shape_cast %get3A_132 : vector<1x16xf32> to vector<16xf32>
        %get3A_134 = arith.index_cast %scan3A_121 : i32 to index
        %get3A_135 = arith.constant 48 : index
        %get3A_136 = tpu.vector_load %arg9[%get3A_134, %get3A_135] {strides = array<i32>} : memref<512x64xf32, #tpu.memory_space<vmem>>, vector<1x16xf32>,
        %get3A_137 = vector.shape_cast %get3A_136 : vector<1x16xf32> to vector<16xf32>
        %mul3A_138 = arith.mulf %get3A_125, %get3A_125 : vector<16xf32>
        %mul3A_139 = arith.mulf %get3A_129, %get3A_129 : vector<16xf32>
        %add3A_140 = arith.addf %mul3A_138, %mul3A_139 : vector<16xf32>
        %mul3A_141 = arith.mulf %get3A_133, %get3A_133 : vector<16xf32>
        %add3A_142 = arith.addf %add3A_140, %mul3A_141 : vector<16xf32>
        %mul3A_143 = arith.mulf %get3A_137, %get3A_137 : vector<16xf32>
        %add3A_144 = arith.addf %add3A_142, %mul3A_143 : vector<16xf32>
        %iota3A = tpu.iota {dimensions = array<i32: 0>} : vector<16xi32>
        %xor3A = arith.constant 8 : i32
        %xor3A_145 = vector.broadcast %xor3A : i32 to vector<16xi32>
        %xor3A_146 = arith.xori %iota3A, %xor3A_145 : vector<16xi32>
        %broadcast_in_dim3A = vector.shape_cast %xor3A_146 : vector<16xi32> to vector<16x1xi32>
        %gather3A = vector.shape_cast %broadcast_in_dim3A : vector<16x1xi32> to vector<16xi32>
        %gather3A_147 = tpu.dynamic_gather %add3A_144[%gather3A] in [0] : vector<16xf32>, vector<16xi32> -> vector<16xf32>
        %add3A_148 = arith.addf %add3A_144, %gather3A_147 : vector<16xf32>
        %xor3A_149 = arith.constant 4 : i32
        %xor3A_150 = vector.broadcast %xor3A_149 : i32 to vector<16xi32>
        %xor3A_151 = arith.xori %iota3A, %xor3A_150 : vector<16xi32>
        %broadcast_in_dim3A_152 = vector.shape_cast %xor3A_151 : vector<16xi32> to vector<16x1xi32>
        %gather3A_153 = vector.shape_cast %broadcast_in_dim3A_152 : vector<16x1xi32> to vector<16xi32>
        %gather3A_154 = tpu.dynamic_gather %add3A_148[%gather3A_153] in [0] : vector<16xf32>, vector<16xi32> -> vector<16xf32>
        %add3A_155 = arith.addf %add3A_148, %gather3A_154 : vector<16xf32>
        %xor3A_156 = arith.constant 2 : i32
        %xor3A_157 = vector.broadcast %xor3A_156 : i32 to vector<16xi32>
        %xor3A_158 = arith.xori %iota3A, %xor3A_157 : vector<16xi32>
        %broadcast_in_dim3A_159 = vector.shape_cast %xor3A_158 : vector<16xi32> to vector<16x1xi32>
        %gather3A_160 = vector.shape_cast %broadcast_in_dim3A_159 : vector<16x1xi32> to vector<16xi32>
        %gather3A_161 = tpu.dynamic_gather %add3A_155[%gather3A_160] in [0] : vector<16xf32>, vector<16xi32> -> vector<16xf32>
        %add3A_162 = arith.addf %add3A_155, %gather3A_161 : vector<16xf32>
        %xor3A_163 = arith.constant 1 : i32
        %xor3A_164 = vector.broadcast %xor3A_163 : i32 to vector<16xi32>
        %xor3A_165 = arith.xori %iota3A, %xor3A_164 : vector<16xi32>
        %broadcast_in_dim3A_166 = vector.shape_cast %xor3A_165 : vector<16xi32> to vector<16x1xi32>
        %gather3A_167 = vector.shape_cast %broadcast_in_dim3A_166 : vector<16x1xi32> to vector<16xi32>
        %gather3A_168 = tpu.dynamic_gather %add3A_162[%gather3A_167] in [0] : vector<16xf32>, vector<16xi32> -> vector<16xf32>
        %add3A_169 = arith.addf %add3A_162, %gather3A_168 : vector<16xf32>
        %slice3A_170 = vector.extract_strided_slice %add3A_169 {offsets = [0], sizes = [1], strides = [1]} : vector<16xf32> to vector<1xf32>
        %squeeze3A_171 = vector.extract %slice3A_170[0] : f32 from vector<1xf32>
        %mul3A_172 = arith.mulf %squeeze3A_171, %squeeze3A : f32
        %gt3A = arith.constant 2.500000e+01 : f32
        %gt3A_173 = arith.cmpf ogt, %mul3A_172, %gt3A : f32
        %convert_element_type3A_174 = arith.extui %gt3A_173 : i1 to i32
        %cond3A_175 = arith.constant 0 : i32
        %cond3A_176 = arith.cmpi ne, %convert_element_type3A_174, %cond3A_175 : i32
        scf.if %cond3A_176 {
          %mul3A_181 = arith.mulf %add3A_169, %mul3A_7 : vector<16xf32>
          %gt3A_182 = arith.constant 2.500000e+01 : f32
          %gt3A_183 = vector.broadcast %gt3A_182 : f32 to vector<16xf32>
          %gt3A_184 = arith.cmpf ogt, %mul3A_181, %gt3A_183 : vector<16xf32>
          %broadcast_in_dim3A_185 = arith.constant 1.000000e+00 : f32
          %broadcast_in_dim3A_186 = vector.broadcast %broadcast_in_dim3A_185 : f32 to vector<16xf32>
          %ge3A = arith.constant 1.84467441E+19 : f32
          %ge3A_187 = vector.broadcast %ge3A : f32 to vector<16xf32>
          %ge3A_188 = arith.cmpf oge, %mul3A_181, %ge3A_187 : vector<16xf32>
          %mul3A_189 = arith.constant 5.42101086E-20 : f32
          %mul3A_190 = vector.broadcast %mul3A_189 : f32 to vector<16xf32>
          %mul3A_191 = arith.mulf %mul3A_181, %mul3A_190 : vector<16xf32>
          %select_n3A = arith.select %ge3A_188, %mul3A_191, %mul3A_181 : vector<16xi1>, vector<16xf32>
          %mul3A_192 = arith.constant 2.32830644E-10 : f32
          %mul3A_193 = vector.broadcast %mul3A_192 : f32 to vector<16xf32>
          %mul3A_194 = arith.mulf %broadcast_in_dim3A_186, %mul3A_193 : vector<16xf32>
          %select_n3A_195 = arith.select %ge3A_188, %mul3A_194, %broadcast_in_dim3A_186 : vector<16xi1>, vector<16xf32>
          %ge3A_196 = arith.constant 4.2949673E+9 : f32
          %ge3A_197 = vector.broadcast %ge3A_196 : f32 to vector<16xf32>
          %ge3A_198 = arith.cmpf oge, %select_n3A, %ge3A_197 : vector<16xf32>
          %mul3A_199 = arith.constant 2.32830644E-10 : f32
          %mul3A_200 = vector.broadcast %mul3A_199 : f32 to vector<16xf32>
          %mul3A_201 = arith.mulf %select_n3A, %mul3A_200 : vector<16xf32>
          %select_n3A_202 = arith.select %ge3A_198, %mul3A_201, %select_n3A : vector<16xi1>, vector<16xf32>
          %mul3A_203 = arith.constant 1.52587891E-5 : f32
          %mul3A_204 = vector.broadcast %mul3A_203 : f32 to vector<16xf32>
          %mul3A_205 = arith.mulf %select_n3A_195, %mul3A_204 : vector<16xf32>
          %select_n3A_206 = arith.select %ge3A_198, %mul3A_205, %select_n3A_195 : vector<16xi1>, vector<16xf32>
          %ge3A_207 = arith.constant 6.553600e+04 : f32
          %ge3A_208 = vector.broadcast %ge3A_207 : f32 to vector<16xf32>
          %ge3A_209 = arith.cmpf oge, %select_n3A_202, %ge3A_208 : vector<16xf32>
          %mul3A_210 = arith.constant 1.52587891E-5 : f32
          %mul3A_211 = vector.broadcast %mul3A_210 : f32 to vector<16xf32>
          %mul3A_212 = arith.mulf %select_n3A_202, %mul3A_211 : vector<16xf32>
          %select_n3A_213 = arith.select %ge3A_209, %mul3A_212, %select_n3A_202 : vector<16xi1>, vector<16xf32>
          %mul3A_214 = arith.constant 3.906250e-03 : f32
          %mul3A_215 = vector.broadcast %mul3A_214 : f32 to vector<16xf32>
          %mul3A_216 = arith.mulf %select_n3A_206, %mul3A_215 : vector<16xf32>
          %select_n3A_217 = arith.select %ge3A_209, %mul3A_216, %select_n3A_206 : vector<16xi1>, vector<16xf32>
          %ge3A_218 = arith.constant 2.560000e+02 : f32
          %ge3A_219 = vector.broadcast %ge3A_218 : f32 to vector<16xf32>
          %ge3A_220 = arith.cmpf oge, %select_n3A_213, %ge3A_219 : vector<16xf32>
          %mul3A_221 = arith.constant 3.906250e-03 : f32
          %mul3A_222 = vector.broadcast %mul3A_221 : f32 to vector<16xf32>
          %mul3A_223 = arith.mulf %select_n3A_213, %mul3A_222 : vector<16xf32>
          %select_n3A_224 = arith.select %ge3A_220, %mul3A_223, %select_n3A_213 : vector<16xi1>, vector<16xf32>
          %mul3A_225 = arith.constant 6.250000e-02 : f32
          %mul3A_226 = vector.broadcast %mul3A_225 : f32 to vector<16xf32>
          %mul3A_227 = arith.mulf %select_n3A_217, %mul3A_226 : vector<16xf32>
          %select_n3A_228 = arith.select %ge3A_220, %mul3A_227, %select_n3A_217 : vector<16xi1>, vector<16xf32>
          %ge3A_229 = arith.constant 1.600000e+01 : f32
          %ge3A_230 = vector.broadcast %ge3A_229 : f32 to vector<16xf32>
          %ge3A_231 = arith.cmpf oge, %select_n3A_224, %ge3A_230 : vector<16xf32>
          %mul3A_232 = arith.constant 6.250000e-02 : f32
          %mul3A_233 = vector.broadcast %mul3A_232 : f32 to vector<16xf32>
          %mul3A_234 = arith.mulf %select_n3A_224, %mul3A_233 : vector<16xf32>
          %select_n3A_235 = arith.select %ge3A_231, %mul3A_234, %select_n3A_224 : vector<16xi1>, vector<16xf32>
          %mul3A_236 = arith.constant 2.500000e-01 : f32
          %mul3A_237 = vector.broadcast %mul3A_236 : f32 to vector<16xf32>
          %mul3A_238 = arith.mulf %select_n3A_228, %mul3A_237 : vector<16xf32>
          %select_n3A_239 = arith.select %ge3A_231, %mul3A_238, %select_n3A_228 : vector<16xi1>, vector<16xf32>
          %ge3A_240 = arith.constant 4.000000e+00 : f32
          %ge3A_241 = vector.broadcast %ge3A_240 : f32 to vector<16xf32>
          %ge3A_242 = arith.cmpf oge, %select_n3A_235, %ge3A_241 : vector<16xf32>
          %mul3A_243 = arith.constant 2.500000e-01 : f32
          %mul3A_244 = vector.broadcast %mul3A_243 : f32 to vector<16xf32>
          %mul3A_245 = arith.mulf %select_n3A_235, %mul3A_244 : vector<16xf32>
          %select_n3A_246 = arith.select %ge3A_242, %mul3A_245, %select_n3A_235 : vector<16xi1>, vector<16xf32>
          %mul3A_247 = arith.constant 5.000000e-01 : f32
          %mul3A_248 = vector.broadcast %mul3A_247 : f32 to vector<16xf32>
          %mul3A_249 = arith.mulf %select_n3A_239, %mul3A_248 : vector<16xf32>
          %select_n3A_250 = arith.select %ge3A_242, %mul3A_249, %select_n3A_239 : vector<16xi1>, vector<16xf32>
          %div3A = arith.constant 1.000000e+00 : f32
          %div3A_251 = vector.broadcast %div3A : f32 to vector<16xf32>
          %div3A_252 = arith.divf %div3A_251, %select_n3A_246 : vector<16xf32>
          %mul3A_253 = arith.constant 5.000000e-01 : f32
          %mul3A_254 = vector.broadcast %mul3A_253 : f32 to vector<16xf32>
          %mul3A_255 = arith.mulf %mul3A_254, %select_n3A_246 : vector<16xf32>
          %mul3A_256 = arith.mulf %mul3A_255, %div3A_252 : vector<16xf32>
          %mul3A_257 = arith.mulf %mul3A_256, %div3A_252 : vector<16xf32>
          %sub3A = arith.constant 1.500000e+00 : f32
          %sub3A_258 = vector.broadcast %sub3A : f32 to vector<16xf32>
          %sub3A_259 = arith.subf %sub3A_258, %mul3A_257 : vector<16xf32>
          %mul3A_260 = arith.mulf %div3A_252, %sub3A_259 : vector<16xf32>
          %mul3A_261 = arith.constant 5.000000e-01 : f32
          %mul3A_262 = vector.broadcast %mul3A_261 : f32 to vector<16xf32>
          %mul3A_263 = arith.mulf %mul3A_262, %select_n3A_246 : vector<16xf32>
          %mul3A_264 = arith.mulf %mul3A_263, %mul3A_260 : vector<16xf32>
          %mul3A_265 = arith.mulf %mul3A_264, %mul3A_260 : vector<16xf32>
          %sub3A_266 = arith.constant 1.500000e+00 : f32
          %sub3A_267 = vector.broadcast %sub3A_266 : f32 to vector<16xf32>
          %sub3A_268 = arith.subf %sub3A_267, %mul3A_265 : vector<16xf32>
          %mul3A_269 = arith.mulf %mul3A_260, %sub3A_268 : vector<16xf32>
          %mul3A_270 = arith.constant 5.000000e-01 : f32
          %mul3A_271 = vector.broadcast %mul3A_270 : f32 to vector<16xf32>
          %mul3A_272 = arith.mulf %mul3A_271, %select_n3A_246 : vector<16xf32>
          %mul3A_273 = arith.mulf %mul3A_272, %mul3A_269 : vector<16xf32>
          %mul3A_274 = arith.mulf %mul3A_273, %mul3A_269 : vector<16xf32>
          %sub3A_275 = arith.constant 1.500000e+00 : f32
          %sub3A_276 = vector.broadcast %sub3A_275 : f32 to vector<16xf32>
          %sub3A_277 = arith.subf %sub3A_276, %mul3A_274 : vector<16xf32>
          %mul3A_278 = arith.mulf %mul3A_269, %sub3A_277 : vector<16xf32>
          %mul3A_279 = arith.constant 5.000000e-01 : f32
          %mul3A_280 = vector.broadcast %mul3A_279 : f32 to vector<16xf32>
          %mul3A_281 = arith.mulf %mul3A_280, %select_n3A_246 : vector<16xf32>
          %mul3A_282 = arith.mulf %mul3A_281, %mul3A_278 : vector<16xf32>
          %mul3A_283 = arith.mulf %mul3A_282, %mul3A_278 : vector<16xf32>
          %sub3A_284 = arith.constant 1.500000e+00 : f32
          %sub3A_285 = vector.broadcast %sub3A_284 : f32 to vector<16xf32>
          %sub3A_286 = arith.subf %sub3A_285, %mul3A_283 : vector<16xf32>
          %mul3A_287 = arith.mulf %mul3A_278, %sub3A_286 : vector<16xf32>
          %mul3A_288 = arith.constant 5.000000e-01 : f32
          %mul3A_289 = vector.broadcast %mul3A_288 : f32 to vector<16xf32>
          %mul3A_290 = arith.mulf %mul3A_289, %select_n3A_246 : vector<16xf32>
          %mul3A_291 = arith.mulf %mul3A_290, %mul3A_287 : vector<16xf32>
          %mul3A_292 = arith.mulf %mul3A_291, %mul3A_287 : vector<16xf32>
          %sub3A_293 = arith.constant 1.500000e+00 : f32
          %sub3A_294 = vector.broadcast %sub3A_293 : f32 to vector<16xf32>
          %sub3A_295 = arith.subf %sub3A_294, %mul3A_292 : vector<16xf32>
          %mul3A_296 = arith.mulf %mul3A_287, %sub3A_295 : vector<16xf32>
          %mul3A_297 = arith.constant 5.000000e-01 : f32
          %mul3A_298 = vector.broadcast %mul3A_297 : f32 to vector<16xf32>
          %mul3A_299 = arith.mulf %mul3A_298, %select_n3A_246 : vector<16xf32>
          %mul3A_300 = arith.mulf %mul3A_299, %mul3A_296 : vector<16xf32>
          %mul3A_301 = arith.mulf %mul3A_300, %mul3A_296 : vector<16xf32>
          %sub3A_302 = arith.constant 1.500000e+00 : f32
          %sub3A_303 = vector.broadcast %sub3A_302 : f32 to vector<16xf32>
          %sub3A_304 = arith.subf %sub3A_303, %mul3A_301 : vector<16xf32>
          %mul3A_305 = arith.mulf %mul3A_296, %sub3A_304 : vector<16xf32>
          %mul3A_306 = arith.mulf %mul3A_305, %select_n3A_250 : vector<16xf32>
          %mul3A_307 = arith.constant 5.000000e+00 : f32
          %mul3A_308 = vector.broadcast %mul3A_307 : f32 to vector<16xf32>
          %mul3A_309 = arith.mulf %mul3A_308, %mul3A_306 : vector<16xf32>
          %broadcast_in_dim3A_310 = arith.constant 1.000000e+00 : f32
          %broadcast_in_dim3A_311 = vector.broadcast %broadcast_in_dim3A_310 : f32 to vector<16xf32>
          %select_n3A_312 = arith.select %gt3A_184, %mul3A_309, %broadcast_in_dim3A_311 : vector<16xi1>, vector<16xf32>
          %mul3A_313 = arith.mulf %select_n3A_312, %get3A_6 : vector<16xf32>
          %mul3A_314 = arith.mulf %get3A_125, %mul3A_313 : vector<16xf32>
          %swap3A = arith.index_cast %scan3A_121 : i32 to index
          %swap3A_315 = arith.constant 0 : index
          %swap3A_316 = tpu.vector_load %arg9[%swap3A, %swap3A_315] {strides = array<i32>} : memref<512x64xf32, #tpu.memory_space<vmem>>, vector<1x16xf32>,
          %swap3A_317 = vector.shape_cast %swap3A_316 : vector<1x16xf32> to vector<16xf32>
          %swap3A_318 = vector.shape_cast %mul3A_314 : vector<16xf32> to vector<1x16xf32>
          tpu.vector_store %arg9[%swap3A, %swap3A_315], %swap3A_318 {strides = array<i32>} : memref<512x64xf32, #tpu.memory_space<vmem>>, vector<1x16xf32>,
          %mul3A_319 = arith.mulf %get3A_129, %mul3A_313 : vector<16xf32>
          %swap3A_320 = arith.index_cast %scan3A_121 : i32 to index
          %swap3A_321 = arith.constant 16 : index
          %swap3A_322 = tpu.vector_load %arg9[%swap3A_320, %swap3A_321] {strides = array<i32>} : memref<512x64xf32, #tpu.memory_space<vmem>>, vector<1x16xf32>,
          %swap3A_323 = vector.shape_cast %swap3A_322 : vector<1x16xf32> to vector<16xf32>
          %swap3A_324 = vector.shape_cast %mul3A_319 : vector<16xf32> to vector<1x16xf32>
          tpu.vector_store %arg9[%swap3A_320, %swap3A_321], %swap3A_324 {strides = array<i32>} : memref<512x64xf32, #tpu.memory_space<vmem>>, vector<1x16xf32>,
          %mul3A_325 = arith.mulf %get3A_133, %mul3A_313 : vector<16xf32>
          %swap3A_326 = arith.index_cast %scan3A_121 : i32 to index
          %swap3A_327 = arith.constant 32 : index
          %swap3A_328 = tpu.vector_load %arg9[%swap3A_326, %swap3A_327] {strides = array<i32>} : memref<512x64xf32, #tpu.memory_space<vmem>>, vector<1x16xf32>,
          %swap3A_329 = vector.shape_cast %swap3A_328 : vector<1x16xf32> to vector<16xf32>
          %swap3A_330 = vector.shape_cast %mul3A_325 : vector<16xf32> to vector<1x16xf32>
          tpu.vector_store %arg9[%swap3A_326, %swap3A_327], %swap3A_330 {strides = array<i32>} : memref<512x64xf32, #tpu.memory_space<vmem>>, vector<1x16xf32>,
          %mul3A_331 = arith.mulf %get3A_137, %mul3A_313 : vector<16xf32>
          %swap3A_332 = arith.index_cast %scan3A_121 : i32 to index
          %swap3A_333 = arith.constant 48 : index
          %swap3A_334 = tpu.vector_load %arg9[%swap3A_332, %swap3A_333] {strides = array<i32>} : memref<512x64xf32, #tpu.memory_space<vmem>>, vector<1x16xf32>,
          %swap3A_335 = vector.shape_cast %swap3A_334 : vector<1x16xf32> to vector<16xf32>
          %swap3A_336 = vector.shape_cast %mul3A_331 : vector<16xf32> to vector<1x16xf32>
          tpu.vector_store %arg9[%swap3A_332, %swap3A_333], %swap3A_336 {strides = array<i32>} : memref<512x64xf32, #tpu.memory_space<vmem>>, vector<1x16xf32>,
        } else {
        }
        %not3A = arith.constant true
        %not3A_177 = arith.xori %gt3A_173, %not3A : i1
        %convert_element_type3A_178 = arith.extui %not3A_177 : i1 to i32
        %cond3A_179 = arith.constant 0 : i32
        %cond3A_180 = arith.cmpi ne, %convert_element_type3A_178, %cond3A_179 : i32
        scf.if %cond3A_180 {
          %mul3A_181 = arith.mulf %get3A_125, %get3A_6 : vector<16xf32>
          %swap3A = arith.index_cast %scan3A_121 : i32 to index
          %swap3A_182 = arith.constant 0 : index
          %swap3A_183 = tpu.vector_load %arg9[%swap3A, %swap3A_182] {strides = array<i32>} : memref<512x64xf32, #tpu.memory_space<vmem>>, vector<1x16xf32>,
          %swap3A_184 = vector.shape_cast %swap3A_183 : vector<1x16xf32> to vector<16xf32>
          %swap3A_185 = vector.shape_cast %mul3A_181 : vector<16xf32> to vector<1x16xf32>
          tpu.vector_store %arg9[%swap3A, %swap3A_182], %swap3A_185 {strides = array<i32>} : memref<512x64xf32, #tpu.memory_space<vmem>>, vector<1x16xf32>,
          %mul3A_186 = arith.mulf %get3A_129, %get3A_6 : vector<16xf32>
          %swap3A_187 = arith.index_cast %scan3A_121 : i32 to index
          %swap3A_188 = arith.constant 16 : index
          %swap3A_189 = tpu.vector_load %arg9[%swap3A_187, %swap3A_188] {strides = array<i32>} : memref<512x64xf32, #tpu.memory_space<vmem>>, vector<1x16xf32>,
          %swap3A_190 = vector.shape_cast %swap3A_189 : vector<1x16xf32> to vector<16xf32>
          %swap3A_191 = vector.shape_cast %mul3A_186 : vector<16xf32> to vector<1x16xf32>
          tpu.vector_store %arg9[%swap3A_187, %swap3A_188], %swap3A_191 {strides = array<i32>} : memref<512x64xf32, #tpu.memory_space<vmem>>, vector<1x16xf32>,
          %mul3A_192 = arith.mulf %get3A_133, %get3A_6 : vector<16xf32>
          %swap3A_193 = arith.index_cast %scan3A_121 : i32 to index
          %swap3A_194 = arith.constant 32 : index
          %swap3A_195 = tpu.vector_load %arg9[%swap3A_193, %swap3A_194] {strides = array<i32>} : memref<512x64xf32, #tpu.memory_space<vmem>>, vector<1x16xf32>,
          %swap3A_196 = vector.shape_cast %swap3A_195 : vector<1x16xf32> to vector<16xf32>
          %swap3A_197 = vector.shape_cast %mul3A_192 : vector<16xf32> to vector<1x16xf32>
          tpu.vector_store %arg9[%swap3A_193, %swap3A_194], %swap3A_197 {strides = array<i32>} : memref<512x64xf32, #tpu.memory_space<vmem>>, vector<1x16xf32>,
          %mul3A_198 = arith.mulf %get3A_137, %get3A_6 : vector<16xf32>
          %swap3A_199 = arith.index_cast %scan3A_121 : i32 to index
          %swap3A_200 = arith.constant 48 : index
          %swap3A_201 = tpu.vector_load %arg9[%swap3A_199, %swap3A_200] {strides = array<i32>} : memref<512x64xf32, #tpu.memory_space<vmem>>, vector<1x16xf32>,
          %swap3A_202 = vector.shape_cast %swap3A_201 : vector<1x16xf32> to vector<16xf32>
          %swap3A_203 = vector.shape_cast %mul3A_198 : vector<16xf32> to vector<1x16xf32>
          tpu.vector_store %arg9[%swap3A_199, %swap3A_200], %swap3A_203 {strides = array<i32>} : memref<512x64xf32, #tpu.memory_space<vmem>>, vector<1x16xf32>,
        } else {
        }
      }
      %scan3A_113 = arith.constant 512 : i32
      %mul3A_114 = arith.constant 512 : i32
      %mul3A_115 = arith.muli %add3A_94, %mul3A_114 : i32
      %add3A_116 = arith.addi %mul3A_4, %mul3A_115 : i32
      %dma_start3A_117 = arith.constant 0 : i32
      %dma_start3A_118 = tpu.memref_slice %arg5[%add3A_116, %dma_start3A_117] : memref<819200x64xf32, #tpu.memory_space<hbm>> -> memref<512x64xf32, #tpu.memory_space<hbm>>
      %dma_start3A_119 = arith.constant 0 : i32
      %dma_start3A_120 = tpu.memref_slice %arg5[%add3A_116, %dma_start3A_119] : memref<819200x64xf32, #tpu.memory_space<hbm>> -> memref<512x64xf32, #tpu.memory_space<hbm>>
      tpu.enqueue_dma source(%arg9 : memref<512x64xf32, #tpu.memory_space<vmem>>) target(%dma_start3A_120 : memref<512x64xf32, #tpu.memory_space<hbm>>) target_semaphore(%arg14 : memref<!tpu.dma_semaphore, #tpu.memory_space<semaphore_mem>>)
    }
    %scan3A_53 = arith.constant 25 : i32
    %dma_wait3A = arith.constant 0 : i32
    %dma_wait3A_54 = arith.constant 0 : i32
    %dma_wait3A_55 = tpu.memref_slice %arg5[%dma_wait3A, %dma_wait3A_54] : memref<819200x64xf32, #tpu.memory_space<hbm>> -> memref<512x64xf32, #tpu.memory_space<hbm>>
    %dma_wait3A_56 = arith.constant 0 : i32
    %dma_wait3A_57 = arith.constant 0 : i32
    %dma_wait3A_58 = tpu.memref_slice %arg5[%dma_wait3A_56, %dma_wait3A_57] : memref<819200x64xf32, #tpu.memory_space<hbm>> -> memref<512x64xf32, #tpu.memory_space<hbm>>
    tpu.wait_dma2 semaphore(%arg13 : memref<!tpu.dma_semaphore, #tpu.memory_space<semaphore_mem>>) src(%arg8 : memref<512x64xf32, #tpu.memory_space<vmem>>) dst(%dma_wait3A_58 : memref<512x64xf32, #tpu.memory_space<hbm>>)
    %dma_wait3A_59 = arith.constant 0 : i32
    %dma_wait3A_60 = arith.constant 0 : i32
    %dma_wait3A_61 = tpu.memref_slice %arg5[%dma_wait3A_59, %dma_wait3A_60] : memref<819200x64xf32, #tpu.memory_space<hbm>> -> memref<512x64xf32, #tpu.memory_space<hbm>>
    %dma_wait3A_62 = arith.constant 0 : i32
    %dma_wait3A_63 = arith.constant 0 : i32
    %dma_wait3A_64 = tpu.memref_slice %arg5[%dma_wait3A_62, %dma_wait3A_63] : memref<819200x64xf32, #tpu.memory_space<hbm>> -> memref<512x64xf32, #tpu.memory_space<hbm>>
    tpu.wait_dma2 semaphore(%arg14 : memref<!tpu.dma_semaphore, #tpu.memory_space<semaphore_mem>>) src(%arg9 : memref<512x64xf32, #tpu.memory_space<vmem>>) dst(%dma_wait3A_64 : memref<512x64xf32, #tpu.memory_space<hbm>>)
    return
  }
}

</mosaic_0001>

<sc_bundles>
// kernel: kernel.3.cloned.1.call-start
scs
__scs_entry_jumppad:
0x0: {  	(pc) =	sbr.rel $0x88, $3  }
0x1: {  	(tag) =	ssettag $0x0;
	lr =	simm.s32 $0x1  }
0x2: {  	[smem:$0x3F9E] =	sst lr;
	_ =	strace $0xD0000000  }
0x3: {  	_ = 	snop  }
0x4: {  	_ = 	snop  }
0x5: {  	_ = 	snop  }
0x6: {  	_ = 	snop  }
0x7: {  	_ = 	snop  }
__scs_overlays_trampoline_lowered:
0x8: {  	[smem:$0x3FAD] =	sst s0  }
0x9: {  	[smem:$0x3FAE] =	sst s1  }
0xa: {  	[smem:$0x3FAF] =	sst s2  }
0xb: {  	[smem:$0x3FB0] =	sst s3  }
0xc: {  	[smem:$0x3FB1] =	sst s4  }
0xd: {  	[smem:$0x3FB2] =	sst s5  }
0xe: {  	[smem:$0x3FB3] =	sst s6  }
0xf: {  	[smem:$0x3FB4] =	sst s7  }
0x10: {  	[smem:$0x3FB5] =	sst s8  }
0x11: {  	[smem:$0x3FB6] =	sst s9;
	s0 =	simm.s32 @!p0 $0x0  }
0x12: {  	s1 =	sld [smem:$0x3F9C];
	s0 =	simm.s32 @p0 $0x1  }
0x13: {  	[smem:$0x3FB7] =	sst s0;
	s0 =	simm.s32 @!p1 $0x0  }
0x14: {  	s2 =	sld [smem:$0x3F9B];
	s0 =	simm.s32 @p1 $0x1  }
0x15: {  	[smem:$0x3FB8] =	sst s0;
	s0 =	simm.s32 @!p2 $0x0  }
0x16: {  	s3 =	sld [smem:$0x3FDB];
	s0 =	simm.s32 @p2 $0x1  }
0x17: {  	s4 =	simm.s32 $0x1BF5;
	[smem:$0x3FBA] =	sst s0  }
0x18: {  	s0 =	sld [smem:$0x3F9D];
	_ =	swait.ge [sflag:s4], $0x0  }
0x19: {  	s7 =	sld [smem:$0x3F9E]  }
0x1a: {  	s8 =	sadd.s32 $0xFFFFE003, lr  }
0x1b: {  	s9 =	sadd.s32 $0xFFFFFEF7, lr;
	s5 =	simm.s32 $0xFFFFFFFF;
	p2 =	slt.u32 s8, $0xFFFFF086  }
0x1c: {  	p1 =	slt.u32 s9, $0xF7A;
	s5 =	simm.s32 @!p2 $0x0  }
0x1d: {  	s5 =	simm.s32 @p1 $0x1;
	p0 =	seq.s32 s7, s2  }
0x1e: {  	s7 =	smul.u32 @!p0 $0xF7A, s2;
	p2 =	seq.s32 @!p0 s5, $0x0  }
0x1f: {  	s9 =	smul.u32 $0xF7A, s1;
	s8 =	simm.s32 @!p0 $0x1BF5;
	p2 =	por !p2, p0  }
0x20: {  	[sflag:s8] =	ssyncset.s32 @!p0 $0xFFFFF086;
	s6 =	sadd.s32 @!p0 s3, s7;
	s7 =	simm.s32 @!p0 $0x108  }
0x21: {  	s3 =	sadd.s32 s3, s9;
	s6 =	sadd.s32 @!p0 $0x88, s6;
	s7 =	simm.s32 @p2 $0x1082  }
0x22: {  	[simem:s7], [sflag:s8] =	dma.local @!p0 [hbm:s6], $0xF7A  }
0x23: {  	s9 =	sor.u32 $0xD0000000, s2;
	s6 =	simm.s32 $0x108;
	_ =	swait.ge @!p0 [sflag:s8], $0x0  }
0x24: {  	s3 =	sadd.s32 $0x88, s3;
	s6 =	simm.s32 @!p1 $0x1082;
	[sflag:s4] =	ssyncset.s32 $0xFFFFF086  }
0x25: {  	[simem:s6], [sflag:s4] =	dma.local [hbm:s3], $0xF7A  }
0x26: {  	[smem:$0x3F9E] =	sst s1;
	(tag) =	ssettag s2;
	_ =	strace s9  }
0x27: {  	s1 =	sld [smem:$0x3FAE]  }
0x28: {  	s2 =	sld [smem:$0x3FAF]  }
0x29: {  	s4 =	sld [smem:$0x3FB1]  }
0x2a: {  	p0 =	seq.s32 s5, $0x0;
	s5 =	sld [smem:$0x3FB2]  }
0x2b: {  	s6 =	sld [smem:$0x3FB3]  }
0x2c: {  	s7 =	sld [smem:$0x3FB4]  }
0x2d: {  	s3 =	simm.s32 $0x108;
	s8 =	sld [smem:$0x3FB5]  }
0x2e: {  	s3 =	simm.s32 @!p0 $0x1082;
	s9 =	sld [smem:$0x3FB6]  }
0x2f: {  	lr =	sadd.s32 s0, s3;
	s0 =	sld [smem:$0x3FAD]  }
0x30: {  	s3 =	sld [smem:$0x3FB0]  }
0x31: {  	[smem:$0x3FB9] =	sst s10  }
0x32: {  	s10 =	sld [smem:$0x3FB7];
	_ =	sdelay $0x3  }
0x33: {  	p0 =	seq.s32 s10, $0x1;
	s10 =	sld [smem:$0x3FB9];
	_ =	sdelay $0x3  }
0x34: {  	[smem:$0x3FB9] =	sst s10  }
0x35: {  	s10 =	sld [smem:$0x3FB8];
	_ =	sdelay $0x3  }
0x36: {  	p1 =	seq.s32 s10, $0x1;
	s10 =	sld [smem:$0x3FB9];
	_ =	sdelay $0x3  }
0x37: {  	[smem:$0x3FB9] =	sst s10  }
0x38: {  	s10 =	sld [smem:$0x3FBA]  }
0x39: {  	_ = 	snop;
	(pc) =	sbr.ind lr, $3  }
0x3a: {  	_ = 	snop  }
0x3b: {  	_ = 	snop  }
0x3c: {  	p2 =	seq.s32 s10, $0x1;
	s10 =	sld [smem:$0x3FB9]  }
0x3d: {  	_ =	shalt  }
0x3e: {  	_ =	shalt  }
0x3f: {  	_ =	shalt  }
0x40: {  	_ =	shalt  }
0x41: {  	_ =	shalt  }
0x42: {  	_ =	shalt  }
0x43: {  	_ =	shalt  }
0x44: {  	_ =	shalt  }
0x45: {  	_ =	shalt  }
0x46: {  	_ =	shalt  }
0x47: {  	_ =	shalt  }
0x48: {  	_ =	shalt  }
0x49: {  	_ =	shalt  }
0x4a: {  	_ =	shalt  }
0x4b: {  	_ =	shalt  }
0x4c: {  	_ =	shalt  }
0x4d: {  	_ =	shalt  }
0x4e: {  	_ =	shalt  }
0x4f: {  	_ =	shalt  }
0x50: {  	_ =	shalt  }
0x51: {  	_ =	shalt  }
0x52: {  	_ =	shalt  }
0x53: {  	_ =	shalt  }
0x54: {  	_ =	shalt  }
0x55: {  	_ =	shalt  }
0x56: {  	_ =	shalt  }
0x57: {  	_ =	shalt  }
0x58: {  	_ =	shalt  }
0x59: {  	_ =	shalt  }
0x5a: {  	_ =	shalt  }
0x5b: {  	_ =	shalt  }
0x5c: {  	_ =	shalt  }
0x5d: {  	_ =	shalt  }
0x5e: {  	_ =	shalt  }
0x5f: {  	_ =	shalt  }
0x60: {  	_ =	shalt  }
0x61: {  	_ =	shalt  }
0x62: {  	_ =	shalt  }
0x63: {  	_ =	shalt  }
0x64: {  	_ =	shalt  }
0x65: {  	_ =	shalt  }
0x66: {  	_ =	shalt  }
0x67: {  	_ =	shalt  }
0x68: {  	_ =	shalt  }
0x69: {  	_ =	shalt  }
0x6a: {  	_ =	shalt  }
0x6b: {  	_ =	shalt  }
0x6c: {  	_ =	shalt  }
0x6d: {  	_ =	shalt  }
0x6e: {  	_ =	shalt  }
0x6f: {  	_ =	shalt  }
0x70: {  	_ =	shalt  }
0x71: {  	_ =	shalt  }
0x72: {  	_ =	shalt  }
0x73: {  	_ =	shalt  }
0x74: {  	_ =	shalt  }
0x75: {  	_ =	shalt  }
0x76: {  	_ =	shalt  }
0x77: {  	_ =	shalt  }
0x78: {  	_ =	shalt  }
0x79: {  	_ =	shalt  }
0x7a: {  	_ =	shalt  }
0x7b: {  	_ =	shalt  }
0x7c: {  	_ =	shalt  }
0x7d: {  	_ =	shalt  }
0x7e: {  	_ =	shalt  }
0x7f: {  	_ =	shalt  }
0x80: {  	_ =	shalt  }
0x81: {  	_ =	shalt  }
0x82: {  	_ =	shalt  }
0x83: {  	_ =	shalt  }
0x84: {  	_ =	shalt  }
0x85: {  	_ =	shalt  }
0x86: {  	_ =	shalt  }
0x87: {  	_ =	shalt  }
.Lfunc_end0:
.L_simem_size_0:
called_computation.1_lowered:
.L_overlay_start_0:
0x88: {  	s2 =	sld [smem:$0x3FD9]  }
0x89: {  	s3 =	sld [smem:$0x3FFE];
	_ =	sdelay $0x1  }
0x8a: {  	s1 =	srdreg.scid  }
0x8b: {  	s0 =	sand.u32 $0x1, s1  }
0x8c: {  	s17 =	sshll.u32 s0, $0xA;
	s2 =	sadd.s32 s3, s2  }
0x8d: {  	s2 =	sadd.s32 s2, s17  }
0x8e: {  	[smem:$0x3FC5] =	sst s2  }
0x8f: {  	_ = 	snop  }
0x90: {  	s2 =	sld [smem:$0x3FD0];
	(tm) =	ssettm $0x1  }
0x91: {  	s18 =	sld [smem:$0x3FFB];
	_ =	sdelay $0x3  }
0x92: {  	_ =	strace s18  }
0x93: {  	s3 =	sld [smem:$0x3FFC];
	_ =	sdelay $0x3  }
0x94: {  	_ =	strace s3  }
0x95: {  	s3 =	sld [smem:$0x3FFD];
	_ =	sdelay $0x3  }
0x96: {  	_ =	strace s3  }
0x97: {  	_ =	strace $0x8FFFFFFF  }
0x98: {  	s19 =	sld [smem:$0x3FDB];
	_ =	sdelay $0x1  }
0x99: {  	s4 =	simm.s32 $_scs_section_size  }
0x9a: {  	s5 =	simm.s32 $_size__tile_overlayer_lowered;
	s6 =	simm.s32 $_tile_overlayer_lowered  }
0x9b: {  	s22 =	simm.s32 $0x1BFF;
	s21 =	sshll.u32 s6, $0x1;
	s3 =	sadd.s32 s4, s19  }
0x9c: {  	s7 =	simm.s32 $0x0;
	s20 =	sshll.u32 s5, $0x1;
	s5 =	sadd.s32 s21, s3  }
0x9d: {  	[timem:s7], [sflag:s22] =	dma.local [hbm:s5], s20  }
0x9e: {  	_ =	swait.ge [sflag:s22], s20  }
0x9f: {  	s4 =	ssub.s32 $0x0, s20;
	[sflag:s22] =	ssyncset.done $0x0  }
0xa0: {  	[sflag:s22] =	ssyncadd.s32 s4;
	_ =	sdelay $0x1  }
0xa1: {  	s23 =	simm.s32 $0x1B8B  }
0xa2: {  	_ =	swait.ge [sflag:s23], $0x1  }
0xa3: {  	[sflag:s23] =	ssyncset.done $0x0  }
0xa4: {  	s25 =	simm.s32 $0x1B8E;
	s24 =	sld [smem:$0x3FFE];
	[sflag:s23] =	ssyncadd.s32 $0xFFFFFFFF  }
0xa5: {  	s26 =	simm.s32 $execute0_lowered;
	[smem:$0x3FD2] =	sst s25  }
0xa6: {  	s5 =	sshll.u32 s26, $0x1;
	_ =	strace $0x80000046;
	[dreg:$0x1] =	wrdreg $0xFFFFFFFF  }
0xa7: {  	s28 =	simm.s32 $_size_execute0_lowered;
	s3 =	sadd.s32 s3, s5;
	[dreg:$0x0] =	wrdreg $0x0  }
0xa8: {  	s5 =	sshll.u32 s28, $0x1;
	[dreg:$0x2] =	wrdreg s3  }
0xa9: {  	[dreg:$0x3] =	wrdreg s5  }
0xaa: {  	[dreg:$0x4] =	wrdreg $0xC0  }
0xab: {  	_ =	task [dreg:s7], $0x5FFFF  }
0xac: {  	[dreg:$0x1] =	wrdreg $0xFFFFFFFF  }
0xad: {  	[dreg:$0x0] =	wrdreg $0x60  }
0xae: {  	[dreg:$0x2] =	wrdreg s24  }
0xaf: {  	[dreg:$0x3] =	wrdreg s2  }
0xb0: {  	[dreg:$0x4] =	wrdreg $0x9  }
0xb1: {  	_ =	task.clear_ibuf [dreg:s7], $0x5FFFF;
	_ =	strace $0x90000046  }
0xb2: {  	s29 =	simm.s32 $0x9;
	_ =	strace $0x80000048  }
0xb3: {  	_ =	swait.ge [sflag:s29], $0x1  }
0xb4: {  	[sflag:s29] =	ssyncadd.s32 $0xFFFFFFFF  }
0xb5: {  	_ =	strace $0x90000048  }
0xb6: {  	_ =	sfence  }
0xb7: {  	s30 =	sld [smem:$0x0];
	_ =	sdelay $0x2  }
0xb8: {  	s31 =	sshll.u32 s1, $0xD;
	s1 =	sshrl.u32 s1, $0x2  }
0xb9: {  	s3 =	sand.u32 $0x4000, s31;
	s1 =	sadd.s32 s1, s30  }
0xba: {  	s0 =	sor.u32 s3, s0;
	s1 =	sshll.u32 s1, $0x11  }
0xbb: {  	s0 =	sor.u32 s1, s0  }
0xbc: {  	s0 =	sadd.s32 $0x8F2B, s0  }
0xbd: {  	[sflag:s0] =	ssyncadd.remote.s32 $0x1  }
0xbe: {  	_ =	sfence.sel $0xFFFF  }
0xbf: {  	[dreg:$0x0] =	wrdreg $0xFFFFFFFF;
	(pc) =	sbr.abs _section_cstart, $3  }
0xc0: {  	[dreg:$0x1] =	wrdreg $0xFFFFFFFF  }
0xc1: {  	_ =	task.clear_ibuf [dreg:s7], $0x2FFFF;
	_ =	strace $0x9FFFFFFF  }
0xc2: {  	(tm) =	ssettm $0x7FFFFFFF  }
0xc3: {  	_ =	shalt  }
tec
execute0_lowered:
.L_overlay_start_1:
0x0: {  	(tag) =	ssettag $0x1  }
0x1: {  	s0 =	rddreg [dreg:$0x0]  }
0x2: {  	s1 =	rddreg [dreg:$0x1];
	s3 =	simm.s32 $0x0;
	v0 =	vimm.s32 $0xFEDCBA98  }
0x3: {  	s2 =	srdreg.scid;
	s4 =	stileid.u32;
	v1 =	vimm.s32 $0x76543210;
	v2 =	vimm.s32 $0xBA98FEDC;
	s13 =	simm.s32 $0x400  }
0x4: {  	v3 =	vimm.s32 $0x32107654;
	v4 =	vimm.s32 $0xDCFE98BA;
	s16 =	simm.s32 $0x5;
	s17 =	simm.s32 $0x80;
	s21 =	simm.s32 $0x200  }
0x5: {  	v5 =	vimm.s32 $0x54761032;
	s22 =	simm.s32 $0x8400;
	s23 =	simm.s32 $0x280;
	s24 =	simm.s32 $0xA400  }
0x6: {  	v6 =	vimm.s32 $0xEFCDAB89;
	s25 =	simm.s32 $0x300;
	s28 =	simm.s32 $0x380;
	s29 =	simm.s32 $0xE400  }
0x7: {  	v7 =	vimm.s32 $0x67452301;
	s30 =	simm.s32 $0x1;
	s31 =	simm.s32 $0x2;
	[smem:$0x7FF] =	sst s3;
	v0 =	vunpack.c.l.s4.s8 v0;
	v1 =	vunpack.c.l.s4.s8 v1  }
0x8: {  	s2 =	sand.u32 $0x1, s2;
	s5 =	sshll.u32 s4, $0x1;
	s4 =	sadd.s32 $0xA00, s0;
	v2 =	vunpack.c.l.s4.s8 v2;
	v3 =	vunpack.c.l.s4.s8 v3;
	v4 =	vunpack.c.l.s4.s8 v4  }
0x9: {  	v5 =	vunpack.c.l.s4.s8 v5;
	v6 =	vunpack.c.l.s4.s8 v6;
	v7 =	vunpack.c.l.s4.s8 v7;
	_ =	strace $0x80000047;
	s8 =	ssub.s32 $0x2, s2;
	s2 =	sor.u32 s2, s5  }
0xa: {  	s5 =	sadd.s32 $0xF42E00, s0;
	s0 =	sadd.s32 $0x19A00, s0;
	s6 =	smul.u32 $0x6400, s2;
	v0 =	vunpack.c.0.s8.s32 v0;
	v1 =	vunpack.c.0.s8.s32 v1;
	v2 =	vunpack.c.0.s8.s32 v2  }
0xb: {  	s9 =	sshrl.u32 s8, $0x1;
	[dreg:$0x3] =	wrdreg s0;
	s10 =	smul.u32 $0xC80, s2;
	v3 =	vunpack.c.0.s8.s32 v3;
	v4 =	vunpack.c.0.s8.s32 v4;
	v5 =	vunpack.c.0.s8.s32 v5  }
0xc: {  	v6 =	vunpack.c.0.s8.s32 v6;
	v7 =	vunpack.c.0.s8.s32 v7;
	s0 =	simm.s32 $0x3;
	s26 =	ssub.s32 s8, s9;
	s8 =	smul.u32 $0x190000, s2;
	v0 =	vand.u32 $0xF, v0  }
0xd: {  	s2 =	simm.s32 $0x4;
	s9 =	sadd.s32 $0x400, s6;
	s11 =	sadd.s32 s4, s10;
	v0 =	vcombine.low v0, v1;
	v1 =	vcombine.low v3, v2  }
0xe: {  	s12 =	smax.u32 s26, $0x1;
	s26 =	simm.s32 $0xC400;
	s10 =	simm.s32 $0x0;
	v2 =	vcombine.low v5, v4;
	v3 =	vcombine.low v7, v6  }
.LBB2_1:
0xf: {  	s7 =	rddreg [dreg:$0x3];
	s14 =	simm.s32 $0x10400  }
0x10: {  	[tilespmem:s14], [sflag:$0x5] =	stream.linear.gather [hbm4b:s7+s3], $0x10, $0x38;
	[tilespmem:$0x10410] =	vst v63  }
0x11: {  	_ =	swait.ge [sflag:s16], $0x10  }
0x12: {  	[sflag:s16] =	ssyncset.done $0x0  }
0x13: {  	[sflag:s16] =	ssyncadd.s32 $0xFFFFFFF0  }
0x14: {  	v4 =	vld [tilespmem:$0x10400];
	_ =	sdelay $0x4  }
0x15: {  	v5 =	vmul.f32 v4, v4;
	_ =	sdelay $0x1  }
0x16: {  	(v2sf) =	vpush v5, $0x0;
	_ =	sdelay $0xd  }
0x17: {  	[tilespmem:s3], [sflag:$0x5] =	stream.linear.gather [hbm4b:s11+s3], $0x200, $0x38;
	[tilespmem:$0x10410] =	vst v63  }
0x18: {  	s14 =	spop (v2sf)  }
0x19: {  	_ =	swait.ge [sflag:s16], $0x200  }
0x1a: {  	[sflag:s16] =	ssyncset.done $0x0  }
0x1b: {  	[sflag:s16] =	ssyncadd.s32 $0xFFFFFE00  }
0x1c: {  	[tilespmem:s13], [sflag:$0x1] =	stream.indirect.gather [hbm4b:s5+s17], $0x40, s3, s17, $0xb8;
	[tilespmem:$0x10410] =	vst v63  }
0x1d: {  	s15 =	simm.s32 $0x2400  }
0x1e: {  	[tilespmem:s15], [sflag:$0x1] =	stream.indirect.gather [hbm4b:s5+s17], $0x40, s17, s17, $0xb8;
	[tilespmem:$0x10410] =	vst v63  }
0x1f: {  	s18 =	simm.s32 $0x4400;
	s15 =	simm.s32 $0x100  }
0x20: {  	[tilespmem:s18], [sflag:$0x1] =	stream.indirect.gather [hbm4b:s5+s17], $0x40, s15, s17, $0xb8;
	[tilespmem:$0x10410] =	vst v63  }
0x21: {  	s19 =	simm.s32 $0x180;
	s20 =	simm.s32 $0x6400;
	s15 =	simm.s32 $0x0  }
0x22: {  	[tilespmem:s20], [sflag:$0x1] =	stream.indirect.gather [hbm4b:s5+s17], $0x40, s19, s17, $0xb8;
	[tilespmem:$0x10410] =	vst v63  }
.LBB2_2:
0x23: {  	s18 =	sshllo.u32 s15, $0x1;
	p0 =	seq.s32 s15, $0x0  }
0x24: {  	s19 =	simm.s32 @!p0 $0x4;
	s20 =	sshll.u32 s18, $0x9  }
0x25: {  	_ =	swait.ge @!p0 [sflag:s19], $0x8000;
	s20 =	sadd.s32 s6, s20  }
0x26: {  	[sflag:s19] =	ssyncset.done @!p0 $0x0;
	s20 =	sshrl.u32 s20, $0x3  }
0x27: {  	s7 =	simm.s32 $0x0;
	[sflag:s19] =	ssyncadd.s32 @!p0 $0xFFFF8000;
	s20 =	sadd.s32 s4, s20  }
0x28: {  	[tilespmem:s21], [sflag:$0x5] =	stream.linear.gather [hbm4b:s20+s7], $0x200, $0x38;
	[tilespmem:$0x10410] =	vst v63  }
0x29: {  	_ =	swait.ge [sflag:s16], $0x200  }
0x2a: {  	[sflag:s16] =	ssyncset.done $0x0  }
0x2b: {  	[sflag:s16] =	ssyncadd.s32 $0xFFFFFE00  }
0x2c: {  	[tilespmem:s22], [sflag:$0x2] =	stream.indirect.gather [hbm4b:s5+s17], $0x40, s21, s17, $0xb8;
	[tilespmem:$0x10410] =	vst v63  }
0x2d: {  	_ = 	snop  }
0x2e: {  	[tilespmem:s24], [sflag:$0x2] =	stream.indirect.gather [hbm4b:s5+s17], $0x40, s23, s17, $0xb8;
	[tilespmem:$0x10410] =	vst v63  }
0x2f: {  	_ = 	snop  }
0x30: {  	[tilespmem:s26], [sflag:$0x2] =	stream.indirect.gather [hbm4b:s5+s17], $0x40, s25, s17, $0xb8;
	[tilespmem:$0x10410] =	vst v63  }
0x31: {  	_ = 	snop  }
0x32: {  	[tilespmem:s29], [sflag:$0x2] =	stream.indirect.gather [hbm4b:s5+s17], $0x40, s28, s17, $0xb8;
	[tilespmem:$0x10410] =	vst v63  }
0x33: {  	_ =	swait.ge [sflag:s30], $0x8000  }
0x34: {  	[sflag:s30] =	ssyncset.done $0x0  }
0x35: {  	s19 =	simm.s32 $0x0;
	[sflag:s30] =	ssyncadd.s32 $0xFFFF8000  }
0x36: {  	v6 =	vld [tilespmem:s19+$0x410]  }
0x37: {  	v7 =	vld [tilespmem:s19+$0x400];
	_ =	sdelay $0x1  }
0x38: {  	v8 =	vld [tilespmem:s19+$0x420];
	_ =	sdelay $0x1  }
0x39: {  	v9 =	vld [tilespmem:s19+$0x430]  }
0x3a: {  	v10 =	vmul.f32 v7, v7;
	v11 =	vmul.f32 v6, v6;
	_ =	sdelay $0x1  }
0x3b: {  	v10 =	vadd.f32 v11, v10;
	v11 =	vmul.f32 v8, v8;
	_ =	sdelay $0x1  }
0x3c: {  	v10 =	vadd.f32 v11, v10;
	v11 =	vmul.f32 v9, v9;
	_ =	sdelay $0x1  }
0x3d: {  	v10 =	vadd.f32 v11, v10;
	_ =	sdelay $0x1  }
0x3e: {  	v11 =	vperm.xlane v10, v0;
	_ =	sdelay $0x1  }
0x3f: {  	v10 =	vadd.f32 v10, v11;
	_ =	sdelay $0x1  }
0x40: {  	v11 =	vperm.xlane v10, v1;
	_ =	sdelay $0x1  }
0x41: {  	v10 =	vadd.f32 v10, v11;
	_ =	sdelay $0x1  }
0x42: {  	v11 =	vperm.xlane v10, v2;
	_ =	sdelay $0x1  }
0x43: {  	v10 =	vadd.f32 v10, v11;
	_ =	sdelay $0x1  }
0x44: {  	v11 =	vperm.xlane v10, v3;
	_ =	sdelay $0x1  }
0x45: {  	v10 =	vadd.f32 v10, v11;
	_ =	sdelay $0x1  }
0x46: {  	(v2sf) =	vpush v10, $0x0;
	_ =	sdelay $0xe  }
0x47: {  	s7 =	spop (v2sf)  }
0x48: {  	s20 =	smul.f32 s7, s14;
	_ =	sdelay $0x1  }
0x49: {  	p1 =	sgt.f32 s20, $2.500000000e+01;
	_ =	sdelay $0x1  }
0x4a: {  	v10 =	vmul.f32 @p1 v10, v5;
	_ =	sdelay $0x1  }
0x4b: {  	v11 =	vmul.f32 @p1 $5.421010860e-20, v10  }
0x4c: {  	vm5 =	vge.f32 @p1 v10, $1.844674410e+19  }
0x4d: {  	v11 =	vsel @p1 vm5, v11, v10  }
0x4e: {  	v12 =	vmul.f32 @p1 $2.328306440e-10, v11  }
0x4f: {  	vm3 =	vge.f32 @p1 v11, $4.294967300e+09  }
0x50: {  	v11 =	vsel @p1 vm3, v12, v11  }
0x51: {  	v12 =	vmul.f32 @p1 $1.525878910e-05, v11  }
0x52: {  	vm4 =	vge.f32 @p1 v11, $6.553600000e+04  }
0x53: {  	v11 =	vsel @p1 vm4, v12, v11  }
0x54: {  	v12 =	vmul.f32 @p1 $3.906250000e-03, v11  }
0x55: {  	vm1 =	vge.f32 @p1 v11, $2.560000000e+02  }
0x56: {  	v11 =	vsel @p1 vm1, v12, v11  }
0x57: {  	v12 =	vmul.f32 @p1 $6.250000000e-02, v11  }
0x58: {  	vm2 =	vge.f32 @p1 v11, $1.600000000e+01  }
0x59: {  	v11 =	vsel @p1 vm2, v12, v11  }
0x5a: {  	v12 =	vmul.f32 @p1 $2.500000000e-01, v11  }
0x5b: {  	vm0 =	vge.f32 @p1 v11, $4.000000000e+00  }
0x5c: {  	v11 =	vsel @p1 vm0, v12, v11  }
0x5d: {  	(erf) = vrcp.f32 @p1 v11;
	_ =	sdelay $0x7  }
0x5e: {  	v11 =	vmul.f32 @p1 $5.000000000e-01, v11  }
0x5f: {  	v12 =	vpop @p1 (erf)  }
0x60: {  	v13 =	vmul.f32 @p1 v12, v11;
	_ =	sdelay $0x1  }
0x61: {  	v13 =	vmul.f32 @p1 v13, v12;
	_ =	sdelay $0x1  }
0x62: {  	v13 =	vsub.f32 @p1 $1.500000000e+00, v13;
	_ =	sdelay $0x1  }
0x63: {  	v12 =	vmul.f32 @p1 v13, v12;
	_ =	sdelay $0x1  }
0x64: {  	v13 =	vmul.f32 @p1 v12, v11;
	_ =	sdelay $0x1  }
0x65: {  	v13 =	vmul.f32 @p1 v13, v12;
	_ =	sdelay $0x1  }
0x66: {  	v13 =	vsub.f32 @p1 $1.500000000e+00, v13;
	_ =	sdelay $0x1  }
0x67: {  	v12 =	vmul.f32 @p1 v13, v12;
	_ =	sdelay $0x1  }
0x68: {  	v13 =	vmul.f32 @p1 v12, v11;
	_ =	sdelay $0x1  }
0x69: {  	v13 =	vmul.f32 @p1 v13, v12;
	_ =	sdelay $0x1  }
0x6a: {  	v13 =	vsub.f32 @p1 $1.500000000e+00, v13;
	_ =	sdelay $0x1  }
0x6b: {  	v12 =	vmul.f32 @p1 v13, v12;
	_ =	sdelay $0x1  }
0x6c: {  	v13 =	vmul.f32 @p1 v12, v11;
	_ =	sdelay $0x1  }
0x6d: {  	v13 =	vmul.f32 @p1 v13, v12;
	_ =	sdelay $0x1  }
0x6e: {  	v13 =	vsub.f32 @p1 $1.500000000e+00, v13;
	_ =	sdelay $0x1  }
0x6f: {  	v12 =	vmul.f32 @p1 v13, v12  }
0x70: {  	v13 =	vimm.f32 @p1 $1.000000000e+00  }
0x71: {  	v13 =	vsel @p1 vm5, $0x2F800000, v13;
	v14 =	vmul.f32 @p1 v12, v11  }
0x72: {  	v15 =	vmul.f32 @p1 $1.525878910e-05, v13  }
0x73: {  	v14 =	vmul.f32 @p1 v14, v12  }
0x74: {  	v13 =	vsel @p1 vm3, v15, v13  }
0x75: {  	v15 =	vmul.f32 @p1 $3.906250000e-03, v13;
	v14 =	vsub.f32 @p1 $1.500000000e+00, v14;
	_ =	sdelay $0x1  }
0x76: {  	v13 =	vsel @p1 vm4, v15, v13;
	v12 =	vmul.f32 @p1 v14, v12  }
0x77: {  	v14 =	vmul.f32 @p1 $6.250000000e-02, v13  }
0x78: {  	v11 =	vmul.f32 @p1 v12, v11  }
0x79: {  	v13 =	vsel @p1 vm1, v14, v13  }
0x7a: {  	v14 =	vmul.f32 @p1 $2.500000000e-01, v13;
	v11 =	vmul.f32 @p1 v11, v12;
	_ =	sdelay $0x1  }
0x7b: {  	v13 =	vsel @p1 vm2, v14, v13;
	v11 =	vsub.f32 @p1 $1.500000000e+00, v11  }
0x7c: {  	v14 =	vmul.f32 @p1 $5.000000000e-01, v13  }
0x7d: {  	v11 =	vmul.f32 @p1 v11, v12  }
0x7e: {  	v12 =	vsel @p1 vm0, v14, v13  }
0x7f: {  	v11 =	vmul.f32 @p1 v11, v12;
	_ =	sdelay $0x1  }
0x80: {  	v11 =	vmul.f32 @p1 $5.000000000e+00, v11  }
0x81: {  	vm0 =	vgt.f32 @p1 v10, $2.500000000e+01  }
0x82: {  	v10 =	vnsel @p1 vm0, $0x3F800000, v11  }
0x83: {  	s20 =	simm.s32 $0x100;
	v10 =	vmul.f32 @p1 v10, v4  }
.LBB2_3:
0x84: {  	s7 =	smov.u32 s20;
	s20 =	sadd.s32 $0x100, s20  }
0x85: {  	s7 =	sshra.s32 s7, $0x2;
	p0 =	sne.s32 s20, $0x20000;
	v10 =	vpsel p1, v10, v4  }
0x86: {  	v6 =	vmul.f32 v10, v6;
	v8 =	vmul.f32 v10, v8  }
0x87: {  	v7 =	vmul.f32 v10, v7;
	v9 =	vmul.f32 v10, v9  }
0x88: {  	[tilespmem:s19+$0x410] =	vst v6  }
0x89: {  	v6 =	vld [tilespmem:s7+$0x410];
	[tilespmem:s19+$0x400] =	vst v7  }
0x8a: {  	v7 =	vld [tilespmem:s7+$0x400];
	[tilespmem:s19+$0x430] =	vst v9  }
0x8b: {  	[tilespmem:s19+$0x420] =	vst v8;
	s19 =	smov.u32 s7  }
0x8c: {  	v8 =	vld [tilespmem:s19+$0x420];
	_ =	sdelay $0x1  }
0x8d: {  	v9 =	vld [tilespmem:s19+$0x430]  }
0x8e: {  	v11 =	vmul.f32 v6, v6;
	v10 =	vmul.f32 v7, v7;
	_ =	sdelay $0x1  }
0x8f: {  	v10 =	vadd.f32 v11, v10;
	v11 =	vmul.f32 v8, v8;
	_ =	sdelay $0x1  }
0x90: {  	v10 =	vadd.f32 v11, v10;
	v11 =	vmul.f32 v9, v9;
	_ =	sdelay $0x1  }
0x91: {  	v10 =	vadd.f32 v11, v10;
	_ =	sdelay $0x1  }
0x92: {  	v11 =	vperm.xlane v10, v0;
	_ =	sdelay $0x1  }
0x93: {  	v10 =	vadd.f32 v10, v11;
	_ =	sdelay $0x1  }
0x94: {  	v11 =	vperm.xlane v10, v1;
	_ =	sdelay $0x1  }
0x95: {  	v10 =	vadd.f32 v10, v11;
	_ =	sdelay $0x1  }
0x96: {  	v11 =	vperm.xlane v10, v2;
	_ =	sdelay $0x1  }
0x97: {  	v10 =	vadd.f32 v10, v11;
	_ =	sdelay $0x1  }
0x98: {  	v11 =	vperm.xlane v10, v3;
	_ =	sdelay $0x1  }
0x99: {  	v10 =	vadd.f32 v10, v11;
	_ =	sdelay $0x1  }
0x9a: {  	(v2sf) =	vpush v10, $0x0;
	_ =	sdelay $0xe  }
0x9b: {  	s7 =	spop (v2sf)  }
0x9c: {  	s7 =	smul.f32 s7, s14;
	_ =	sdelay $0x1  }
0x9d: {  	p1 =	sgt.f32 s7, $2.500000000e+01;
	_ =	sdelay $0x1  }
0x9e: {  	v10 =	vmul.f32 @p1 v10, v5;
	_ =	sdelay $0x1  }
0x9f: {  	v12 =	vimm.f32 @p1 $1.000000000e+00;
	vm1 =	vge.f32 @p1 v10, $1.844674410e+19;
	v11 =	vmul.f32 @p1 $5.421010860e-20, v10  }
0xa0: {  	vm0 =	vgt.f32 @p1 v10, $2.500000000e+01;
	v12 =	vsel @p1 vm1, $0x2F800000, v12  }
0xa1: {  	v10 =	vsel @p1 vm1, v11, v10;
	v11 =	vmul.f32 @p1 $1.525878910e-05, v12  }
0xa2: {  	vm1 =	vge.f32 @p1 v10, $4.294967300e+09;
	v13 =	vmul.f32 @p1 $2.328306440e-10, v10  }
0xa3: {  	v11 =	vsel @p1 vm1, v11, v12  }
0xa4: {  	v10 =	vsel @p1 vm1, v13, v10;
	v12 =	vmul.f32 @p1 $3.906250000e-03, v11  }
0xa5: {  	vm1 =	vge.f32 @p1 v10, $6.553600000e+04;
	v13 =	vmul.f32 @p1 $1.525878910e-05, v10  }
0xa6: {  	v11 =	vsel @p1 vm1, v12, v11  }
0xa7: {  	v10 =	vsel @p1 vm1, v13, v10;
	v12 =	vmul.f32 @p1 $6.250000000e-02, v11  }
0xa8: {  	vm1 =	vge.f32 @p1 v10, $2.560000000e+02;
	v13 =	vmul.f32 @p1 $3.906250000e-03, v10  }
0xa9: {  	v11 =	vsel @p1 vm1, v12, v11  }
0xaa: {  	v10 =	vsel @p1 vm1, v13, v10;
	v12 =	vmul.f32 @p1 $2.500000000e-01, v11  }
0xab: {  	vm1 =	vge.f32 @p1 v10, $1.600000000e+01;
	v13 =	vmul.f32 @p1 $6.250000000e-02, v10  }
0xac: {  	v11 =	vsel @p1 vm1, v12, v11  }
0xad: {  	v10 =	vsel @p1 vm1, v13, v10;
	v12 =	vmul.f32 @p1 $5.000000000e-01, v11  }
0xae: {  	vm1 =	vge.f32 @p1 v10, $4.000000000e+00;
	v13 =	vmul.f32 @p1 $2.500000000e-01, v10  }
0xaf: {  	v11 =	vsel @p1 vm1, v12, v11  }
0xb0: {  	v10 =	vsel @p1 vm1, v13, v10  }
0xb1: {  	(erf) = vrcp.f32 @p1 v10;
	_ =	sdelay $0x7  }
0xb2: {  	v10 =	vmul.f32 @p1 $5.000000000e-01, v10  }
0xb3: {  	v12 =	vpop @p1 (erf)  }
0xb4: {  	v13 =	vmul.f32 @p1 v12, v10;
	_ =	sdelay $0x1  }
0xb5: {  	v13 =	vmul.f32 @p1 v13, v12;
	_ =	sdelay $0x1  }
0xb6: {  	v13 =	vsub.f32 @p1 $1.500000000e+00, v13;
	_ =	sdelay $0x1  }
0xb7: {  	v12 =	vmul.f32 @p1 v13, v12;
	_ =	sdelay $0x1  }
0xb8: {  	v13 =	vmul.f32 @p1 v12, v10;
	_ =	sdelay $0x1  }
0xb9: {  	v13 =	vmul.f32 @p1 v13, v12;
	_ =	sdelay $0x1  }
0xba: {  	v13 =	vsub.f32 @p1 $1.500000000e+00, v13;
	_ =	sdelay $0x1  }
0xbb: {  	v12 =	vmul.f32 @p1 v13, v12;
	_ =	sdelay $0x1  }
0xbc: {  	v13 =	vmul.f32 @p1 v12, v10;
	_ =	sdelay $0x1  }
0xbd: {  	v13 =	vmul.f32 @p1 v13, v12;
	_ =	sdelay $0x1  }
0xbe: {  	v13 =	vsub.f32 @p1 $1.500000000e+00, v13;
	_ =	sdelay $0x1  }
0xbf: {  	v12 =	vmul.f32 @p1 v13, v12;
	_ =	sdelay $0x1  }
0xc0: {  	v13 =	vmul.f32 @p1 v12, v10;
	_ =	sdelay $0x1  }
0xc1: {  	v13 =	vmul.f32 @p1 v13, v12;
	_ =	sdelay $0x1  }
0xc2: {  	v13 =	vsub.f32 @p1 $1.500000000e+00, v13;
	_ =	sdelay $0x1  }
0xc3: {  	v12 =	vmul.f32 @p1 v13, v12;
	_ =	sdelay $0x1  }
0xc4: {  	v13 =	vmul.f32 @p1 v12, v10;
	_ =	sdelay $0x1  }
0xc5: {  	v13 =	vmul.f32 @p1 v13, v12;
	_ =	sdelay $0x1  }
0xc6: {  	v13 =	vsub.f32 @p1 $1.500000000e+00, v13;
	_ =	sdelay $0x1  }
0xc7: {  	v12 =	vmul.f32 @p1 v13, v12;
	_ =	sdelay $0x1  }
0xc8: {  	v10 =	vmul.f32 @p1 v12, v10;
	_ =	sdelay $0x1  }
0xc9: {  	v10 =	vmul.f32 @p1 v10, v12;
	_ =	sdelay $0x1  }
0xca: {  	v10 =	vsub.f32 @p1 $1.500000000e+00, v10;
	_ =	sdelay $0x1  }
0xcb: {  	v10 =	vmul.f32 @p1 v10, v12;
	_ =	sdelay $0x1  }
0xcc: {  	v10 =	vmul.f32 @p1 v10, v11  }
.Ltmp0:
0xcd: {  	(pc) =	sbr.rel @p0 .LBB2_3-.Ltmp0, $3  }
0xce: {  	v10 =	vmul.f32 @p1 $5.000000000e+00, v10;
	_ =	sdelay $0x1  }
0xcf: {  	v10 =	vnsel @p1 vm0, $0x3F800000, v10  }
0xd0: {  	v10 =	vmul.f32 @p1 v10, v4  }
0xd1: {  	_ = 	snop  }
0xd2: {  	v10 =	vpsel p1, v10, v4  }
0xd3: {  	v6 =	vmul.f32 v10, v6  }
0xd4: {  	v7 =	vmul.f32 v10, v7  }
0xd5: {  	s7 =	sshll.u32 s15, $0x10;
	v9 =	vmul.f32 v10, v9;
	[tilespmem:s19+$0x410] =	vst v6  }
0xd6: {  	s7 =	sadd.s32 s8, s7;
	v6 =	vmul.f32 v10, v8;
	[tilespmem:s19+$0x400] =	vst v7  }
0xd7: {  	s7 =	sshrl.u32 s7, $0x3;
	[tilespmem:s19+$0x430] =	vst v9  }
0xd8: {  	p0 =	seq.s32 s15, $0x18;
	s7 =	sadd.s32 s1, s7;
	[tilespmem:s19+$0x420] =	vst v6  }
0xd9: {  	[hbm4b:s7+s3] =	stream.linear.scatter [tilespmem:s13], [sflag:$0x3], $0x8000, $0x38;
	[tilespmem:$0x10410] =	vst v63  }
0xda: {  	s19 =	sshll.u32 @!p0 s15, $0xA;
	s7 =	simm.s32 @!p0 $0x3  }
0xdb: {  	s19 =	sadd.s32 @!p0 s19, s9;
	_ =	swait.ge @!p0 [sflag:s7], $0x8000  }
0xdc: {  	s19 =	sshrl.u32 @!p0 s19, $0x3;
	[sflag:s7] =	ssyncset.done @!p0 $0x0  }
0xdd: {  	[sflag:s7] =	ssyncadd.s32 @!p0 $0xFFFF8000;
	s7 =	sadd.s32 @!p0 s4, s19;
	s19 =	simm.s32 @!p0 $0x0  }
0xde: {  	[tilespmem:s19], [sflag:$0x5] =	stream.linear.gather @!p0 [hbm4b:s7+s19], $0x200, $0x38;
	[tilespmem:$0x10410] =	vst v63  }
0xdf: {  	s7 =	simm.s32 @!p0 $0x5  }
0xe0: {  	_ =	swait.ge @!p0 [sflag:s7], $0x200  }
0xe1: {  	[sflag:s7] =	ssyncset.done @!p0 $0x0  }
0xe2: {  	s20 =	simm.s32 @!p0 $0x400;
	[sflag:s7] =	ssyncadd.s32 @!p0 $0xFFFFFE00;
	s7 =	simm.s32 @!p0 $0x80  }
0xe3: {  	[tilespmem:s20], [sflag:$0x1] =	stream.indirect.gather @!p0 [hbm4b:s5+s7], $0x40, s19, s7, $0xb8;
	[tilespmem:$0x10410] =	vst v63  }
0xe4: {  	s19 =	simm.s32 @!p0 $0x2400  }
0xe5: {  	[tilespmem:s19], [sflag:$0x1] =	stream.indirect.gather @!p0 [hbm4b:s5+s7], $0x40, s7, s7, $0xb8;
	[tilespmem:$0x10410] =	vst v63  }
0xe6: {  	s20 =	simm.s32 @!p0 $0x4400;
	s19 =	simm.s32 @!p0 $0x100  }
0xe7: {  	[tilespmem:s20], [sflag:$0x1] =	stream.indirect.gather @!p0 [hbm4b:s5+s7], $0x40, s19, s7, $0xb8;
	[tilespmem:$0x10410] =	vst v63  }
0xe8: {  	s19 =	simm.s32 @!p0 $0x180;
	s20 =	simm.s32 @!p0 $0x6400  }
0xe9: {  	[tilespmem:s20], [sflag:$0x1] =	stream.indirect.gather @!p0 [hbm4b:s5+s7], $0x40, s19, s7, $0xb8;
	[tilespmem:$0x10410] =	vst v63  }
0xea: {  	_ =	swait.ge [sflag:s31], $0x8000  }
0xeb: {  	[sflag:s31] =	ssyncset.done $0x0  }
0xec: {  	s19 =	simm.s32 $0x0;
	[sflag:s31] =	ssyncadd.s32 $0xFFFF8000  }
0xed: {  	v6 =	vld [tilespmem:s19+$0x8410]  }
0xee: {  	v7 =	vld [tilespmem:s19+$0x8400];
	_ =	sdelay $0x1  }
0xef: {  	v8 =	vld [tilespmem:s19+$0x8420];
	_ =	sdelay $0x1  }
0xf0: {  	v9 =	vld [tilespmem:s19+$0x8430]  }
0xf1: {  	v10 =	vmul.f32 v7, v7;
	v11 =	vmul.f32 v6, v6;
	_ =	sdelay $0x1  }
0xf2: {  	v10 =	vadd.f32 v11, v10;
	v11 =	vmul.f32 v8, v8;
	_ =	sdelay $0x1  }
0xf3: {  	v10 =	vadd.f32 v11, v10;
	v11 =	vmul.f32 v9, v9;
	_ =	sdelay $0x1  }
0xf4: {  	v10 =	vadd.f32 v11, v10;
	_ =	sdelay $0x1  }
0xf5: {  	v11 =	vperm.xlane v10, v0;
	_ =	sdelay $0x1  }
0xf6: {  	v10 =	vadd.f32 v10, v11;
	_ =	sdelay $0x1  }
0xf7: {  	v11 =	vperm.xlane v10, v1;
	_ =	sdelay $0x1  }
0xf8: {  	v10 =	vadd.f32 v10, v11;
	_ =	sdelay $0x1  }
0xf9: {  	v11 =	vperm.xlane v10, v2;
	_ =	sdelay $0x1  }
0xfa: {  	v10 =	vadd.f32 v10, v11;
	_ =	sdelay $0x1  }
0xfb: {  	v11 =	vperm.xlane v10, v3;
	_ =	sdelay $0x1  }
0xfc: {  	v10 =	vadd.f32 v10, v11;
	_ =	sdelay $0x1  }
0xfd: {  	(v2sf) =	vpush v10, $0x0;
	_ =	sdelay $0xe  }
0xfe: {  	s20 =	spop (v2sf)  }
0xff: {  	s7 =	smul.f32 s20, s14;
	_ =	sdelay $0x1  }
0x100: {  	p1 =	sgt.f32 s7, $2.500000000e+01;
	_ =	sdelay $0x1  }
0x101: {  	v10 =	vmul.f32 @p1 v10, v5;
	_ =	sdelay $0x1  }
0x102: {  	v11 =	vmul.f32 @p1 $5.421010860e-20, v10  }
0x103: {  	vm5 =	vge.f32 @p1 v10, $1.844674410e+19  }
0x104: {  	v11 =	vsel @p1 vm5, v11, v10  }
0x105: {  	v12 =	vmul.f32 @p1 $2.328306440e-10, v11  }
0x106: {  	vm3 =	vge.f32 @p1 v11, $4.294967300e+09  }
0x107: {  	v11 =	vsel @p1 vm3, v12, v11  }
0x108: {  	v12 =	vmul.f32 @p1 $1.525878910e-05, v11  }
0x109: {  	vm4 =	vge.f32 @p1 v11, $6.553600000e+04  }
0x10a: {  	v11 =	vsel @p1 vm4, v12, v11  }
0x10b: {  	v12 =	vmul.f32 @p1 $3.906250000e-03, v11  }
0x10c: {  	vm1 =	vge.f32 @p1 v11, $2.560000000e+02  }
0x10d: {  	v11 =	vsel @p1 vm1, v12, v11  }
0x10e: {  	v12 =	vmul.f32 @p1 $6.250000000e-02, v11  }
0x10f: {  	vm2 =	vge.f32 @p1 v11, $1.600000000e+01  }
0x110: {  	v11 =	vsel @p1 vm2, v12, v11  }
0x111: {  	v12 =	vmul.f32 @p1 $2.500000000e-01, v11  }
0x112: {  	vm0 =	vge.f32 @p1 v11, $4.000000000e+00  }
0x113: {  	v11 =	vsel @p1 vm0, v12, v11  }
0x114: {  	(erf) = vrcp.f32 @p1 v11;
	_ =	sdelay $0x7  }
0x115: {  	v11 =	vmul.f32 @p1 $5.000000000e-01, v11  }
0x116: {  	v12 =	vpop @p1 (erf)  }
0x117: {  	v13 =	vmul.f32 @p1 v12, v11;
	_ =	sdelay $0x1  }
0x118: {  	v13 =	vmul.f32 @p1 v13, v12;
	_ =	sdelay $0x1  }
0x119: {  	v13 =	vsub.f32 @p1 $1.500000000e+00, v13;
	_ =	sdelay $0x1  }
0x11a: {  	v12 =	vmul.f32 @p1 v13, v12;
	_ =	sdelay $0x1  }
0x11b: {  	v13 =	vmul.f32 @p1 v12, v11;
	_ =	sdelay $0x1  }
0x11c: {  	v13 =	vmul.f32 @p1 v13, v12;
	_ =	sdelay $0x1  }
0x11d: {  	v13 =	vsub.f32 @p1 $1.500000000e+00, v13;
	_ =	sdelay $0x1  }
0x11e: {  	v12 =	vmul.f32 @p1 v13, v12;
	_ =	sdelay $0x1  }
0x11f: {  	v13 =	vmul.f32 @p1 v12, v11;
	_ =	sdelay $0x1  }
0x120: {  	v13 =	vmul.f32 @p1 v13, v12;
	_ =	sdelay $0x1  }
0x121: {  	v13 =	vsub.f32 @p1 $1.500000000e+00, v13;
	_ =	sdelay $0x1  }
0x122: {  	v12 =	vmul.f32 @p1 v13, v12;
	_ =	sdelay $0x1  }
0x123: {  	v13 =	vmul.f32 @p1 v12, v11;
	_ =	sdelay $0x1  }
0x124: {  	v13 =	vmul.f32 @p1 v13, v12;
	_ =	sdelay $0x1  }
0x125: {  	v13 =	vsub.f32 @p1 $1.500000000e+00, v13;
	_ =	sdelay $0x1  }
0x126: {  	v12 =	vmul.f32 @p1 v13, v12  }
0x127: {  	v13 =	vimm.f32 @p1 $1.000000000e+00  }
0x128: {  	v13 =	vsel @p1 vm5, $0x2F800000, v13;
	v14 =	vmul.f32 @p1 v12, v11  }
0x129: {  	v15 =	vmul.f32 @p1 $1.525878910e-05, v13  }
0x12a: {  	v14 =	vmul.f32 @p1 v14, v12  }
0x12b: {  	v13 =	vsel @p1 vm3, v15, v13  }
0x12c: {  	v15 =	vmul.f32 @p1 $3.906250000e-03, v13;
	v14 =	vsub.f32 @p1 $1.500000000e+00, v14;
	_ =	sdelay $0x1  }
0x12d: {  	v13 =	vsel @p1 vm4, v15, v13;
	v12 =	vmul.f32 @p1 v14, v12  }
0x12e: {  	v14 =	vmul.f32 @p1 $6.250000000e-02, v13  }
0x12f: {  	v11 =	vmul.f32 @p1 v12, v11  }
0x130: {  	v13 =	vsel @p1 vm1, v14, v13  }
0x131: {  	v14 =	vmul.f32 @p1 $2.500000000e-01, v13;
	v11 =	vmul.f32 @p1 v11, v12;
	_ =	sdelay $0x1  }
0x132: {  	v13 =	vsel @p1 vm2, v14, v13;
	v11 =	vsub.f32 @p1 $1.500000000e+00, v11  }
0x133: {  	v14 =	vmul.f32 @p1 $5.000000000e-01, v13  }
0x134: {  	v11 =	vmul.f32 @p1 v11, v12  }
0x135: {  	v12 =	vsel @p1 vm0, v14, v13  }
0x136: {  	v11 =	vmul.f32 @p1 v11, v12;
	_ =	sdelay $0x1  }
0x137: {  	v11 =	vmul.f32 @p1 $5.000000000e+00, v11  }
0x138: {  	vm0 =	vgt.f32 @p1 v10, $2.500000000e+01  }
0x139: {  	v10 =	vnsel @p1 vm0, $0x3F800000, v11  }
0x13a: {  	s20 =	simm.s32 $0x100;
	v10 =	vmul.f32 @p1 v10, v4  }
.LBB2_5:
0x13b: {  	s7 =	smov.u32 s20;
	s20 =	sadd.s32 $0x100, s20  }
0x13c: {  	s7 =	sshra.s32 s7, $0x2;
	p0 =	sne.s32 s20, $0x20000;
	v10 =	vpsel p1, v10, v4  }
0x13d: {  	v6 =	vmul.f32 v10, v6;
	v8 =	vmul.f32 v10, v8  }
0x13e: {  	v7 =	vmul.f32 v10, v7;
	v9 =	vmul.f32 v10, v9  }
0x13f: {  	[tilespmem:s19+$0x8410] =	vst v6  }
0x140: {  	v6 =	vld [tilespmem:s7+$0x8410];
	[tilespmem:s19+$0x8400] =	vst v7  }
0x141: {  	v7 =	vld [tilespmem:s7+$0x8400];
	[tilespmem:s19+$0x8430] =	vst v9  }
0x142: {  	[tilespmem:s19+$0x8420] =	vst v8;
	s19 =	smov.u32 s7  }
0x143: {  	v8 =	vld [tilespmem:s19+$0x8420];
	_ =	sdelay $0x1  }
0x144: {  	v9 =	vld [tilespmem:s19+$0x8430]  }
0x145: {  	v11 =	vmul.f32 v6, v6;
	v10 =	vmul.f32 v7, v7;
	_ =	sdelay $0x1  }
0x146: {  	v10 =	vadd.f32 v11, v10;
	v11 =	vmul.f32 v8, v8;
	_ =	sdelay $0x1  }
0x147: {  	v10 =	vadd.f32 v11, v10;
	v11 =	vmul.f32 v9, v9;
	_ =	sdelay $0x1  }
0x148: {  	v10 =	vadd.f32 v11, v10;
	_ =	sdelay $0x1  }
0x149: {  	v11 =	vperm.xlane v10, v0;
	_ =	sdelay $0x1  }
0x14a: {  	v10 =	vadd.f32 v10, v11;
	_ =	sdelay $0x1  }
0x14b: {  	v11 =	vperm.xlane v10, v1;
	_ =	sdelay $0x1  }
0x14c: {  	v10 =	vadd.f32 v10, v11;
	_ =	sdelay $0x1  }
0x14d: {  	v11 =	vperm.xlane v10, v2;
	_ =	sdelay $0x1  }
0x14e: {  	v10 =	vadd.f32 v10, v11;
	_ =	sdelay $0x1  }
0x14f: {  	v11 =	vperm.xlane v10, v3;
	_ =	sdelay $0x1  }
0x150: {  	v10 =	vadd.f32 v10, v11;
	_ =	sdelay $0x1  }
0x151: {  	(v2sf) =	vpush v10, $0x0;
	_ =	sdelay $0xe  }
0x152: {  	s7 =	spop (v2sf)  }
0x153: {  	s7 =	smul.f32 s7, s14;
	_ =	sdelay $0x1  }
0x154: {  	p1 =	sgt.f32 s7, $2.500000000e+01;
	_ =	sdelay $0x1  }
0x155: {  	v10 =	vmul.f32 @p1 v10, v5;
	_ =	sdelay $0x1  }
0x156: {  	v12 =	vimm.f32 @p1 $1.000000000e+00;
	vm1 =	vge.f32 @p1 v10, $1.844674410e+19;
	v11 =	vmul.f32 @p1 $5.421010860e-20, v10  }
0x157: {  	vm0 =	vgt.f32 @p1 v10, $2.500000000e+01;
	v12 =	vsel @p1 vm1, $0x2F800000, v12  }
0x158: {  	v10 =	vsel @p1 vm1, v11, v10;
	v11 =	vmul.f32 @p1 $1.525878910e-05, v12  }
0x159: {  	vm1 =	vge.f32 @p1 v10, $4.294967300e+09;
	v13 =	vmul.f32 @p1 $2.328306440e-10, v10  }
0x15a: {  	v11 =	vsel @p1 vm1, v11, v12  }
0x15b: {  	v10 =	vsel @p1 vm1, v13, v10;
	v12 =	vmul.f32 @p1 $3.906250000e-03, v11  }
0x15c: {  	vm1 =	vge.f32 @p1 v10, $6.553600000e+04;
	v13 =	vmul.f32 @p1 $1.525878910e-05, v10  }
0x15d: {  	v11 =	vsel @p1 vm1, v12, v11  }
0x15e: {  	v10 =	vsel @p1 vm1, v13, v10;
	v12 =	vmul.f32 @p1 $6.250000000e-02, v11  }
0x15f: {  	vm1 =	vge.f32 @p1 v10, $2.560000000e+02;
	v13 =	vmul.f32 @p1 $3.906250000e-03, v10  }
0x160: {  	v11 =	vsel @p1 vm1, v12, v11  }
0x161: {  	v10 =	vsel @p1 vm1, v13, v10;
	v12 =	vmul.f32 @p1 $2.500000000e-01, v11  }
0x162: {  	vm1 =	vge.f32 @p1 v10, $1.600000000e+01;
	v13 =	vmul.f32 @p1 $6.250000000e-02, v10  }
0x163: {  	v11 =	vsel @p1 vm1, v12, v11  }
0x164: {  	v10 =	vsel @p1 vm1, v13, v10;
	v12 =	vmul.f32 @p1 $5.000000000e-01, v11  }
0x165: {  	vm1 =	vge.f32 @p1 v10, $4.000000000e+00;
	v13 =	vmul.f32 @p1 $2.500000000e-01, v10  }
0x166: {  	v11 =	vsel @p1 vm1, v12, v11  }
0x167: {  	v10 =	vsel @p1 vm1, v13, v10  }
0x168: {  	(erf) = vrcp.f32 @p1 v10;
	_ =	sdelay $0x7  }
0x169: {  	v10 =	vmul.f32 @p1 $5.000000000e-01, v10  }
0x16a: {  	v12 =	vpop @p1 (erf)  }
0x16b: {  	v13 =	vmul.f32 @p1 v12, v10;
	_ =	sdelay $0x1  }
0x16c: {  	v13 =	vmul.f32 @p1 v13, v12;
	_ =	sdelay $0x1  }
0x16d: {  	v13 =	vsub.f32 @p1 $1.500000000e+00, v13;
	_ =	sdelay $0x1  }
0x16e: {  	v12 =	vmul.f32 @p1 v13, v12;
	_ =	sdelay $0x1  }
0x16f: {  	v13 =	vmul.f32 @p1 v12, v10;
	_ =	sdelay $0x1  }
0x170: {  	v13 =	vmul.f32 @p1 v13, v12;
	_ =	sdelay $0x1  }
0x171: {  	v13 =	vsub.f32 @p1 $1.500000000e+00, v13;
	_ =	sdelay $0x1  }
0x172: {  	v12 =	vmul.f32 @p1 v13, v12;
	_ =	sdelay $0x1  }
0x173: {  	v13 =	vmul.f32 @p1 v12, v10;
	_ =	sdelay $0x1  }
0x174: {  	v13 =	vmul.f32 @p1 v13, v12;
	_ =	sdelay $0x1  }
0x175: {  	v13 =	vsub.f32 @p1 $1.500000000e+00, v13;
	_ =	sdelay $0x1  }
0x176: {  	v12 =	vmul.f32 @p1 v13, v12;
	_ =	sdelay $0x1  }
0x177: {  	v13 =	vmul.f32 @p1 v12, v10;
	_ =	sdelay $0x1  }
0x178: {  	v13 =	vmul.f32 @p1 v13, v12;
	_ =	sdelay $0x1  }
0x179: {  	v13 =	vsub.f32 @p1 $1.500000000e+00, v13;
	_ =	sdelay $0x1  }
0x17a: {  	v12 =	vmul.f32 @p1 v13, v12;
	_ =	sdelay $0x1  }
0x17b: {  	v13 =	vmul.f32 @p1 v12, v10;
	_ =	sdelay $0x1  }
0x17c: {  	v13 =	vmul.f32 @p1 v13, v12;
	_ =	sdelay $0x1  }
0x17d: {  	v13 =	vsub.f32 @p1 $1.500000000e+00, v13;
	_ =	sdelay $0x1  }
0x17e: {  	v12 =	vmul.f32 @p1 v13, v12;
	_ =	sdelay $0x1  }
0x17f: {  	v10 =	vmul.f32 @p1 v12, v10;
	_ =	sdelay $0x1  }
0x180: {  	v10 =	vmul.f32 @p1 v10, v12;
	_ =	sdelay $0x1  }
0x181: {  	v10 =	vsub.f32 @p1 $1.500000000e+00, v10;
	_ =	sdelay $0x1  }
0x182: {  	v10 =	vmul.f32 @p1 v10, v12;
	_ =	sdelay $0x1  }
0x183: {  	v10 =	vmul.f32 @p1 v10, v11  }
.Ltmp1:
0x184: {  	(pc) =	sbr.rel @p0 .LBB2_5-.Ltmp1, $3  }
0x185: {  	v10 =	vmul.f32 @p1 $5.000000000e+00, v10;
	_ =	sdelay $0x1  }
0x186: {  	v10 =	vnsel @p1 vm0, $0x3F800000, v10  }
0x187: {  	v10 =	vmul.f32 @p1 v10, v4  }
0x188: {  	_ = 	snop  }
0x189: {  	v10 =	vpsel p1, v10, v4  }
0x18a: {  	s15 =	sadd.s32 $0x1, s15;
	v6 =	vmul.f32 v10, v6  }
0x18b: {  	p0 =	sne.s32 s15, $0x19;
	v7 =	vmul.f32 v10, v7  }
.Ltmp2:
0x18c: {  	s7 =	sshll.u32 s18, $0xF;
	v9 =	vmul.f32 v10, v9;
	[tilespmem:s19+$0x8410] =	vst v6;
	(pc) =	sbr.rel @p0 .LBB2_2-.Ltmp2, $4  }
0x18d: {  	s7 =	sadd.s32 s8, s7;
	v6 =	vmul.f32 v10, v8;
	[tilespmem:s19+$0x8400] =	vst v7  }
0x18e: {  	s7 =	sshrl.u32 s7, $0x3;
	[tilespmem:s19+$0x8430] =	vst v9  }
0x18f: {  	s7 =	sadd.s32 s1, s7;
	[tilespmem:s19+$0x8420] =	vst v6  }
0x190: {  	[hbm4b:s7+s3] =	stream.linear.scatter [tilespmem:s22], [sflag:$0x4], $0x8000, $0x38;
	[tilespmem:$0x10410] =	vst v63  }
0x191: {  	s10 =	sadd.s32 $0x1, s10  }
0x192: {  	_ =	swait.ge [sflag:s0], $0x8000;
	p0 =	sne.s32 s10, s12  }
.Ltmp3:
0x193: {  	[sflag:s0] =	ssyncset.done $0x0;
	(pc) =	sbr.rel @p0 .LBB2_1-.Ltmp3, $4  }
0x194: {  	[sflag:s0] =	ssyncadd.s32 $0xFFFF8000  }
0x195: {  	_ =	swait.ge [sflag:s2], $0x8000  }
0x196: {  	[sflag:s2] =	ssyncset.done $0x0  }
0x197: {  	[sflag:s2] =	ssyncadd.s32 $0xFFFF8000  }
0x198: {  	_ =	sfence.sel $0x180000  }
0x199: {  	[bflag:$0x0] =	sbarrier.arrive $0xFFFF  }
0x19a: {  	_ =	strace $0x90000047  }
0x19b: {  	s0 =	stileid.u32;
	[bflag:$0x2] =	sbarrier.arrive $0xFFFF  }
0x19c: {  	p0 =	sne.s32 s0, $0x0;
	s0 =	rddreg [dreg:$0x2]  }
0x19d: {  	s0 =	sadd.s32 @!p0 $0x100000, s0  }
0x19e: {  	[sflag:s0] =	ssyncadd.tile.s32 @!p0 $0x1;
	_ =	shalt  }
.Lfunc_end2:
_tile_overlayer_lowered:
.L_overlay_start_2:
0x19f: {  	(tag) =	ssettag $0x2  }
0x1a0: {  	s0 =	rddreg [dreg:$0x0];
	s2 =	stileid.u32  }
0x1a1: {  	s1 =	rddreg [dreg:$0x1];
	p0 =	sne.s32 s2, $0x0  }
0x1a2: {  	s3 =	rddreg [dreg:$0x2];
	[bflag:$0x3] =	sbarrier.arrive $0xFFFF;
	s2 =	simm.s32 @!p0 $0x1C05  }
0x1a3: {  	[timem:s3], [sflag:s2] =	dma.local @!p0 [hbm:s0], s1  }
0x1a4: {  	s0 =	simm.s32 @!p0 $0x5  }
0x1a5: {  	_ =	swait.ge @!p0 [sflag:s0], s1  }
0x1a6: {  	s1 =	ssub.s32 @!p0 $0x0, s1;
	[sflag:s0] =	ssyncset.done @!p0 $0x0  }
0x1a7: {  	[sflag:s0] =	ssyncadd.s32 @!p0 s1  }
0x1a8: {  	[bflag:$0x3] =	sbarrier.arrive $0xFFFF  }
0x1a9: {  	_ =	shalt  }

// kernel: sparse-core-data-format-call.cloned.1.call-start
scs
called_computation_lowered:
.L_overlay_start_0:
0x0: {  	s2 =	sld [smem:$0x3FD9]  }
0x1: {  	s3 =	sld [smem:$0x3FFE];
	_ =	sdelay $0x1  }
0x2: {  	s1 =	srdreg.scid  }
0x3: {  	s0 =	sand.u32 $0x1, s1  }
0x4: {  	s18 =	sshll.u32 s0, $0xA;
	s2 =	sadd.s32 s3, s2  }
0x5: {  	s2 =	sadd.s32 s2, s18  }
0x6: {  	[smem:$0x3FC5] =	sst s2  }
0x7: {  	_ = 	snop  }
0x8: {  	s2 =	sld [smem:$0x3FD0];
	(tm) =	ssettm $0x1  }
0x9: {  	s19 =	sld [smem:$0x3FFB];
	_ =	sdelay $0x3  }
0xa: {  	_ =	strace s19  }
0xb: {  	s3 =	sld [smem:$0x3FFC];
	_ =	sdelay $0x3  }
0xc: {  	_ =	strace s3  }
0xd: {  	s3 =	sld [smem:$0x3FFD];
	_ =	sdelay $0x3  }
0xe: {  	_ =	strace s3  }
0xf: {  	_ =	strace $0x8FFFFFFF  }
0x10: {  	s20 =	sld [smem:$0x3FDB];
	_ =	sdelay $0x1  }
0x11: {  	s4 =	simm.s32 $_scs_section_size  }
0x12: {  	s5 =	simm.s32 $_size__tile_overlayer_lowered;
	s6 =	simm.s32 $_tile_overlayer_lowered  }
0x13: {  	s23 =	simm.s32 $0x1BFF;
	s22 =	sshll.u32 s6, $0x1;
	s3 =	sadd.s32 s4, s20  }
0x14: {  	s7 =	simm.s32 $0x0;
	s21 =	sshll.u32 s5, $0x1;
	s5 =	sadd.s32 s22, s3  }
0x15: {  	[timem:s7], [sflag:s23] =	dma.local [hbm:s5], s21  }
0x16: {  	_ =	swait.ge [sflag:s23], s21  }
0x17: {  	s4 =	ssub.s32 $0x0, s21;
	[sflag:s23] =	ssyncset.done $0x0  }
0x18: {  	[sflag:s23] =	ssyncadd.s32 s4;
	_ =	sdelay $0x1  }
0x19: {  	s24 =	simm.s32 $0x1B8B  }
0x1a: {  	_ =	swait.ge [sflag:s24], $0x1  }
0x1b: {  	[sflag:s24] =	ssyncset.done $0x0  }
0x1c: {  	s26 =	simm.s32 $0x1B8E;
	s25 =	sld [smem:$0x3FFE];
	[sflag:s24] =	ssyncadd.s32 $0xFFFFFFFF  }
0x1d: {  	s27 =	simm.s32 $execute0_lowered;
	[smem:$0x3FD2] =	sst s26  }
0x1e: {  	s5 =	sshll.u32 s27, $0x1;
	_ =	strace $0x80000049;
	[dreg:$0x1] =	wrdreg $0xFFFFFFFF  }
0x1f: {  	s28 =	simm.s32 $_size_execute0_lowered;
	s3 =	sadd.s32 s3, s5;
	[dreg:$0x0] =	wrdreg $0x0  }
0x20: {  	s5 =	sshll.u32 s28, $0x1;
	[dreg:$0x2] =	wrdreg s3  }
0x21: {  	[dreg:$0x3] =	wrdreg s5  }
0x22: {  	[dreg:$0x4] =	wrdreg $0xC0  }
0x23: {  	_ =	task [dreg:s7], $0x5FFFF  }
0x24: {  	[dreg:$0x1] =	wrdreg $0xFFFFFFFF  }
0x25: {  	[dreg:$0x0] =	wrdreg $0x60  }
0x26: {  	[dreg:$0x2] =	wrdreg s25  }
0x27: {  	[dreg:$0x3] =	wrdreg s2  }
0x28: {  	[dreg:$0x4] =	wrdreg $0x9  }
0x29: {  	_ =	task.clear_ibuf [dreg:s7], $0x5FFFF;
	_ =	strace $0x90000049  }
0x2a: {  	s29 =	simm.s32 $0x9;
	_ =	strace $0x8000004B  }
0x2b: {  	_ =	swait.ge [sflag:s29], $0x1  }
0x2c: {  	[sflag:s29] =	ssyncadd.s32 $0xFFFFFFFF  }
0x2d: {  	_ =	strace $0x9000004B  }
0x2e: {  	_ =	sfence  }
0x2f: {  	s30 =	sld [smem:$0x0];
	_ =	sdelay $0x2  }
0x30: {  	s31 =	sshll.u32 s1, $0xD;
	s1 =	sshrl.u32 s1, $0x2  }
0x31: {  	s3 =	sand.u32 $0x4000, s31;
	s1 =	sadd.s32 s1, s30  }
0x32: {  	s0 =	sor.u32 s3, s0;
	s1 =	sshll.u32 s1, $0x11  }
0x33: {  	s0 =	sor.u32 s1, s0  }
0x34: {  	s0 =	sadd.s32 $0x8F2B, s0  }
0x35: {  	[sflag:s0] =	ssyncadd.remote.s32 $0x1  }
0x36: {  	_ =	sfence.sel $0xFFFF  }
0x37: {  	[dreg:$0x0] =	wrdreg $0xFFFFFFFF;
	(pc) =	sbr.abs _section_cstart, $3  }
0x38: {  	[dreg:$0x1] =	wrdreg $0xFFFFFFFF  }
0x39: {  	_ =	task.clear_ibuf [dreg:s7], $0x2FFFF;
	_ =	strace $0x9FFFFFFF  }
0x3a: {  	(tm) =	ssettm $0x7FFFFFFF  }
0x3b: {  	_ =	shalt  }
tec
execute0_lowered:
.L_overlay_start_1:
0x0: {  	(tag) =	ssettag $0x1  }
0x1: {  	s0 =	srdreg.scid  }
0x2: {  	s1 =	sshll.u32 s0, $0x4  }
0x3: {  	s0 =	stileid.u32;
	s1 =	sand.u32 $0x10, s1  }
0x4: {  	s1 =	sor.u32 s0, s1  }
0x5: {  	s6 =	rddreg [dreg:$0x0];
	s4 =	simm.s32 $0x1;
	s2 =	sshll.u32 s1, $0x7  }
0x6: {  	s7 =	simm.s32 $0x2;
	s12 =	simm.s32 $0x0;
	s1 =	ssub.s32 $0x1000, s2  }
0x7: {  	s8 =	simm.s32 $0x8000;
	s13 =	simm.s32 $0x0;
	s3 =	sand.u32 $0xF80, s1  }
0x8: {  	s9 =	simm.s32 $0x0;
	s5 =	sshrl.u32 s1, $0xC;
	p0 =	sne.s32 s3, $0x0  }
.Ltmp0:
0x9: {  	s1 =	rddreg [dreg:$0x2];
	s4 =	simm.s32 @!p0 $0x0;
	(pc) =	sbr.rel .LBB1_1-.Ltmp0, $4  }
0xa: {  	s11 =	simm.s32 $0x0;
	s3 =	rddreg [dreg:$0x1];
	s5 =	sadd.s32 s4, s5  }
0xb: {  	_ =	strace $0x8000004A;
	s4 =	simm.s32 $0x1;
	s5 =	smul.u32 $0xC8, s5  }
0xc: {  	s6 =	sadd.s32 $0xA00, s6;
	s10 =	smov.u32 s2;
	[sflag:s4] =	ssyncpa.u1 $0x0  }
0xd: {  	p0 =	por $0x0, $0x0;
	[sflag:s7] =	ssyncpa.u1 $0x0;
	s7 =	sor.u32 $0x1, s5  }
.LBB1_4:
0xe: {  	s16 =	sshll.u32 s13, $0x3;
	s17 =	sand.u32 $0x78, s13  }
0xf: {  	s30 =	sand.u32 $0x7E00, s13;
	s12 =	sshll.u32 s12, $0xF;
	s16 =	sand.u32 $0xC00, s16  }
0x10: {  	[tilespmem:s15+$0x810 ss:$0x81] =	vst.msk $0xffff, v2;
	s31 =	sand.u32 $0x7, s13;
	s16 =	sor.u32 s17, s16;
	s17 =	sadd.s32 s3, s30  }
0x11: {  	[tilespmem:s15+$0x1020 ss:$0x81] =	vst.msk $0xffff, v0;
	s13 =	sshll.u32 s31, $0x12;
	s12 =	sadd.s32 s12, s17;
	s16 =	sshrl.u32 s16, $0x3  }
0x12: {  	[tilespmem:s15+$0x0 ss:$0x81] =	vst.msk $0xffff, v1;
	s13 =	sor.u32 $0x400, s13;
	s12 =	sadd.s32 s16, s12  }
0x13: {  	[hbm4b:s12+s13] =	stream.strided.scatter [tilespmem:s14], [sflag:$0x2], $0x2000, s8, s13, $0x20;
	[tilespmem:$0x8080] =	vst v63  }
.LBB1_5:
0x14: {  	s14 =	sadd.s32 $0x1, s9  }
0x15: {  	s12 =	sadd.s32 $0x1000, s10;
	s16 =	smov.u32 s10;
	p2 =	sgt.s32 s14, $0xC7  }
0x16: {  	s16 =	smov.u32 @p2 s12  }
0x17: {  	s14 =	simm.s32 @p2 $0x0;
	p2 =	sgt.s32 s16, $0xFFF  }
0x18: {  	s16 =	smov.u32 @p2 s2;
	p2 =	sne.s32 s11, s7  }
.Ltmp1:
0x19: {  	p1 =	slt.u32 s11, $0x2;
	(pc) =	sbr.rel @!p2 .LBB1_6-.Ltmp1, $4  }
0x1a: {  	s15 =	simm.s32 @!p1 $0x2  }
0x1b: {  	s13 =	smov.u32 s10;
	p0 =	por !p0, !p0;
	_ =	swait.ge @!p1 [sflag:s15], $0x2000  }
0x1c: {  	s12 =	smov.u32 s9;
	[sflag:s15] =	ssyncset.done @!p1 $0x0;
	s9 =	smov.u32 s14  }
0x1d: {  	s11 =	sadd.s32 $0x1, s11;
	[sflag:s15] =	ssyncadd.s32 @!p1 $0xFFFFE000;
	s10 =	smov.u32 s16  }
.LBB1_1:
0x1e: {  	p1 =	sge.u32 s11, s5  }
0x1f: {  	s14 =	sand.u32 @!p1 $0x1FFFFFF, s9  }
0x20: {  	s15 =	smulhi.u32 @!p1 $0x147AE15, s14;
	_ =	sdelay $0x1  }
0x21: {  	s15 =	smul.u32 @!p1 $0xC8, s15  }
0x22: {  	s16 =	sxor.u32 @!p1 $0xFFFFFFFF, s11;
	s17 =	smul.u32 @!p1 $0xC80, s10  }
0x23: {  	s31 =	sadd.s32 $0xFFFFFFFF, s11;
	s16 =	sshll.u32 @!p1 s16, $0xD;
	s14 =	ssub.s32 @!p1 s14, s15  }
0x24: {  	s15 =	sand.u32 @!p1 $0x2000, s16;
	s16 =	sadd.s32 @!p1 s6, s17;
	s14 =	sshll.u32 @!p1 s14, $0x4  }
0x25: {  	s17 =	simm.s32 @!p1 $0x6400;
	s14 =	sadd.s32 @!p1 s14, s16;
	s16 =	simm.s32 @!p1 $0x40  }
0x26: {  	[tilespmem:s15], [sflag:$0x1] =	stream.strided.gather @!p1 [hbm4b:s14+s16], $0x2000, s17, s16, $0x38;
	[tilespmem:$0x8080] =	vst v63  }
0x27: {  	p1 =	sge.u32 s31, s5  }
.Ltmp2:
0x28: {  	_ = 	snop;
	(pc) =	sbr.rel @p1 .LBB1_5-.Ltmp2, $1  }
0x29: {  	_ =	sdelay $0x3  }
0x2a: {  	s14 =	simm.s32 $0x1  }
0x2b: {  	_ =	swait.ge [sflag:s4], $0x2000;
	s14 =	simm.s32 @!p0 $0x0  }
0x2c: {  	[sflag:s4] =	ssyncset.done $0x0;
	s15 =	sshll.u32 s14, $0xD  }
0x2d: {  	[sflag:s4] =	ssyncadd.s32 $0xFFFFE000;
	s18 =	sor.u32 $0x20, s15  }
0x2e: {  	s14 =	smul.u32 $0x8100, s14;
	v3 =	vld [tilespmem:s18+$0x10]  }
0x2f: {  	s30 =	sand.u32 $0x1, s11;
	v2 =	vld [tilespmem:s18+$0xFFFFFFF0]  }
0x30: {  	s15 =	smul.u32 $0x8100, s30;
	s14 =	sshrl.u32 s14, $0x2;
	v0 =	vld [tilespmem:s18+$0x0]  }
0x31: {  	v1 =	vld [tilespmem:s18+$0xFFFFFFE0];
	s16 =	sor.u32 $0x4000, s14  }
0x32: {  	s31 =	sshrl.u32 s15, $0x2;
	s15 =	sadd.s32 $0x0, s16  }
0x33: {  	s17 =	simm.s32 $0x4;
	s18 =	sadd.s32 $0x40, s18;
	s14 =	sor.u32 $0x4000, s31;
	[tilespmem:s15+$0x1830 ss:$0x81] =	vst.msk $0xffff, v3  }
.LBB1_3:
0x34: {  	v3 =	vld [tilespmem:s18+$0x10];
	p1 =	sne.s32 s17, $0x1FC;
	[tilespmem:s15+$0x810 ss:$0x81] =	vst.msk $0xffff, v2;
	s19 =	smov.u32 s17;
	s17 =	sadd.s32 $0x4, s17  }
.Ltmp3:
0x35: {  	v2 =	vld [tilespmem:s18+$0xFFFFFFF0];
	[tilespmem:s15+$0x1020 ss:$0x81] =	vst.msk $0xffff, v0;
	(pc) =	sbr.rel @p1 .LBB1_3-.Ltmp3, $4  }
0x36: {  	v0 =	vld [tilespmem:s18+$0x0];
	[tilespmem:s15+$0x0 ss:$0x81] =	vst.msk $0xffff, v1  }
0x37: {  	s15 =	sshra.s32 s19, $0x2;
	v1 =	vld [tilespmem:s18+$0xFFFFFFE0]  }
0x38: {  	s15 =	sadd.s32 s15, s16  }
0x39: {  	s18 =	sadd.s32 $0x40, s18;
	[tilespmem:s15+$0x1830 ss:$0x81] =	vst.msk $0xffff, v3  }
.Ltmp4:
0x3a: {  	_ = 	snop;
	(pc) =	sbr.rel .LBB1_4-.Ltmp4, $1  }
0x3b: {  	_ =	sdelay $0x3  }
.LBB1_6:
0x3c: {  	_ =	sfence.sel $0x180000  }
0x3d: {  	s2 =	simm.s32 $0x1;
	[bflag:$0x0] =	sbarrier.arrive $0xFFFF  }
0x3e: {  	s31 =	simm.s32 $0x2;
	[sflag:s2] =	ssyncpa.u1 $0x1  }
0x3f: {  	[sflag:s31] =	ssyncpa.u1 $0x1  }
0x40: {  	p0 =	sne.s32 s0, $0x0;
	_ =	strace $0x9000004A  }
0x41: {  	s0 =	sadd.s32 @!p0 $0x100000, s1;
	[bflag:$0x2] =	sbarrier.arrive $0xFFFF  }
0x42: {  	[sflag:s0] =	ssyncadd.tile.s32 @!p0 $0x1;
	_ =	shalt  }
.Lfunc_end1:
_tile_overlayer_lowered:
.L_overlay_start_2:
0x43: {  	(tag) =	ssettag $0x2  }
0x44: {  	s0 =	rddreg [dreg:$0x0];
	s2 =	stileid.u32  }
0x45: {  	s1 =	rddreg [dreg:$0x1];
	p0 =	sne.s32 s2, $0x0  }
0x46: {  	s3 =	rddreg [dreg:$0x2];
	[bflag:$0x3] =	sbarrier.arrive $0xFFFF;
	s2 =	simm.s32 @!p0 $0x1C01  }
0x47: {  	[timem:s3], [sflag:s2] =	dma.local @!p0 [hbm:s0], s1  }
0x48: {  	s0 =	simm.s32 @!p0 $0x1  }
0x49: {  	_ =	swait.ge @!p0 [sflag:s0], s1  }
0x4a: {  	s1 =	ssub.s32 @!p0 $0x0, s1;
	[sflag:s0] =	ssyncset.done @!p0 $0x0  }
0x4b: {  	[sflag:s0] =	ssyncadd.s32 @!p0 s1  }
0x4c: {  	[bflag:$0x3] =	sbarrier.arrive $0xFFFF  }
0x4d: {  	_ =	shalt  }

</sc_bundles>
